<compile_context>
chip_gen: v7x
topology: tpu7x:2x2x1
jax: 0.10.2.dev20260603
libtpu: 0.0.44.dev20260713+nightly
codegen_flags: <defaults>
</compile_context>

<pallas_src>
import functools

import jax
import jax.numpy as jnp
from jax import lax
from jax.experimental import pallas as pl
from jax.experimental.pallas import tpu as pltpu
from jax.experimental.pallas import tpu_sc as plsc

N = 10000
E = 160000
DIM = 256
HD = DIM // 2
NC, NS, L = 2, 16, 16
NH = 5120
TR = NH
AR = 5248
RS = AR // NS
EPT = E // NS
C = 400
NCHUNK = EPT // C
NV = C // L
NVH = HD // L


def _sigmoid(t):
    return 1.0 / (1.0 + jnp.exp(-t))


def _mm_body(x_ref, wt_ref, o_ref):
    o_ref[...] = jnp.dot(x_ref[...], wt_ref[...],
                         preferred_element_type=jnp.float32)


def _final_body(x_ref, wt_ref, agg_ref, simn_ref, deg_ref, rs_ref, o_ref):
    hs = jnp.dot(x_ref[...], wt_ref[...], preferred_element_type=jnp.float32)
    den = (simn_ref[...] + 1e-6) * (deg_ref[...] + 1e-6)
    v = agg_ref[...] / den + _sigmoid(rs_ref[...]) * hs
    o_ref[...] = jnp.where(v >= 0, v, 0.01 * v)


def _sc_body(do_norm, row_hbm, col_hbm, w_hbm, ra_hbm, rb_hbm, sn_hbm, h_hbm,
             *rest):
    if do_norm:
        (agga_hbm, aggb_hbm, simna_hbm, simnb_hbm, dega_hbm, degb_hbm,
         rowc, colc, idxb, idxp, wcb, rab, rbb, snb, gb, coefb, msg, zb,
         acc_sh, simn_sh, deg_sh, sem) = rest
    else:
        (agga_hbm, aggb_hbm,
         rowc, colc, idxb, idxp, wcb, rab, rbb, snb, gb, coefb, msg, zb,
         acc_sh, sem) = rest
        simn_sh = deg_sh = None
    cid = lax.axis_index("c")
    sid = lax.axis_index("s")
    base = cid * NH

    zero16 = jnp.zeros((L,), jnp.float32)

    def _zmsg(i, _):
        for v in range(NVH):
            msg[i, pl.ds(v * L, L)] = zero16
        return _
    lax.fori_loop(0, RS, _zmsg, None)
    r0 = sid * RS
    pltpu.sync_copy(msg.at[pl.ds(0, RS)], acc_sh.at[pl.ds(r0, RS)])
    if do_norm:
        for j in range(RS // L):
            zb[pl.ds(j * L, L)] = zero16
        pltpu.sync_copy(zb, simn_sh.at[pl.ds(r0, RS)])
        pltpu.sync_copy(zb, deg_sh.at[pl.ds(r0, RS)])
    plsc.subcore_barrier()

    def _chunk(k, _):
        ebase = sid * EPT + k * C
        m1 = pltpu.async_copy(row_hbm.at[pl.ds(ebase, C)], rowc, sem)
        m2 = pltpu.async_copy(col_hbm.at[pl.ds(ebase, C)], colc, sem)
        m3 = pltpu.async_copy(w_hbm.at[pl.ds(ebase, C)], wcb, sem)
        m1.wait()
        m2.wait()
        m3.wait()
        cp1 = pltpu.async_copy(ra_hbm.at[rowc], rab, sem)
        cp2 = pltpu.async_copy(rb_hbm.at[colc], rbb, sem)
        cp3 = pltpu.async_copy(sn_hbm.at[colc], snb, sem)
        cp4 = pltpu.async_copy(h_hbm.at[colc], msg, sem)
        cp1.wait()
        cp2.wait()
        cp3.wait()
        cp4.wait()

        def _coef(v, _):
            sl = pl.ds(v * L, L)
            off = rowc[sl] - base
            valid = (off >= 0) & (off < NH)
            iv = jnp.where(valid, off, TR)
            idxb[sl] = iv
            idxp[sl] = iv
            g = _sigmoid(rab[sl] + rbb[sl])
            z = snb[sl]
            s = 1.0 - 2.0 / (jnp.exp(2.0 * z) + 1.0)
            gb[sl] = g
            coefb[sl] = wcb[sl] * g * s
            return _
        lax.fori_loop(0, NV, _coef, None)

        tr32 = jnp.int32(TR)

        def _edge(i, _):
            o1 = idxp[pl.ds(i, L)][0]

            @pl.when(o1 != tr32)
            def _():
                c1 = coefb[pl.ds(i, L)][0]
                for v in range(NVH):
                    sl = pl.ds(v * L, L)
                    msg[i, sl] = msg[i, sl] * c1
            return _
        lax.fori_loop(0, C, _edge, None)

        pltpu.sync_copy(msg, acc_sh.at[idxb], add=True)

        if do_norm:
            pltpu.sync_copy(gb.at[pl.ds(0, C)], deg_sh.at[idxb], add=True)
            pltpu.sync_copy(wcb, simn_sh.at[idxb], add=True)
        return _
    lax.fori_loop(0, NCHUNK, _chunk, None)

    plsc.subcore_barrier()

    @pl.when(cid == 0)
    def _():
        pltpu.sync_copy(acc_sh.at[pl.ds(r0, RS)], agga_hbm.at[pl.ds(r0, RS)])
        if do_norm:
            pltpu.sync_copy(simn_sh.at[pl.ds(r0, RS)], zb)
            pltpu.sync_copy(zb, simna_hbm.at[pl.ds(r0, RS)])
            pltpu.sync_copy(deg_sh.at[pl.ds(r0, RS)], zb)
            pltpu.sync_copy(zb, dega_hbm.at[pl.ds(r0, RS)])

    @pl.when(cid == 1)
    def _():
        pltpu.sync_copy(acc_sh.at[pl.ds(r0, RS)], aggb_hbm.at[pl.ds(r0, RS)])
        if do_norm:
            pltpu.sync_copy(simn_sh.at[pl.ds(r0, RS)], zb)
            pltpu.sync_copy(zb, simnb_hbm.at[pl.ds(r0, RS)])
            pltpu.sync_copy(deg_sh.at[pl.ds(r0, RS)], zb)
            pltpu.sync_copy(zb, degb_hbm.at[pl.ds(r0, RS)])


def _make_sc(do_norm):
    f32 = jnp.float32
    out_type = [jax.ShapeDtypeStruct((AR, HD), f32),
                jax.ShapeDtypeStruct((AR, HD), f32)]
    if do_norm:
        out_type += [jax.ShapeDtypeStruct((AR,), f32),
                     jax.ShapeDtypeStruct((AR,), f32),
                     jax.ShapeDtypeStruct((AR,), f32),
                     jax.ShapeDtypeStruct((AR,), f32)]
    scratch = [
        pltpu.VMEM((C,), jnp.int32),
        pltpu.VMEM((C,), jnp.int32),
        pltpu.VMEM((C,), jnp.int32),
        pltpu.VMEM((C + L,), jnp.int32),
        pltpu.VMEM((C,), f32),
        pltpu.VMEM((C,), f32),
        pltpu.VMEM((C,), f32),
        pltpu.VMEM((C,), f32),
        pltpu.VMEM((C + L,), f32),
        pltpu.VMEM((C + L,), f32),
        pltpu.VMEM((C, HD), f32),
        pltpu.VMEM((RS,), f32),
        pltpu.VMEM_SHARED((AR, HD), f32),
    ]
    if do_norm:
        scratch += [pltpu.VMEM_SHARED((AR,), f32),
                    pltpu.VMEM_SHARED((AR,), f32)]
    scratch += [pltpu.SemaphoreType.DMA]
    mesh = plsc.VectorSubcoreMesh(core_axis_name="c", subcore_axis_name="s",
                                  num_cores=NC, num_subcores=NS)
    return pl.kernel(functools.partial(_sc_body, do_norm),
                     out_type=out_type, mesh=mesh, scratch_types=scratch)


def kernel(x, edge_index, sim_weight, rep, node_signal, W, W_self,
           alpha, beta, alpha_self, temp):
    f32 = jnp.float32
    row = edge_index[0].astype(jnp.int32)
    col = edge_index[1].astype(jnp.int32)
    sim_weight = sim_weight.astype(f32)

    mm = pl.pallas_call(
        _mm_body,
        grid=(10,),
        in_specs=[pl.BlockSpec((N // 10, DIM), lambda i: (i, 0)),
                  pl.BlockSpec((DIM, DIM), lambda i: (0, 0))],
        out_specs=pl.BlockSpec((N // 10, DIM), lambda i: (i, 0)),
        out_shape=jax.ShapeDtypeStruct((N, DIM), f32),
    )
    h = mm(x, W.T)

    ra = (alpha / temp) * rep
    rb = (beta / temp) * rep
    rs = ((alpha_self / temp) * rep)[:, None]

    a0_lo, a0_hi, simn_lo, simn_hi, deg_lo, deg_hi = _make_sc(True)(
        row, col, sim_weight, ra, rb, node_signal, h[:, :HD])
    a1_lo, a1_hi = _make_sc(False)(
        row, col, sim_weight, ra, rb, node_signal, h[:, HD:])

    agg = jnp.concatenate(
        [jnp.concatenate([a0_lo[:NH], a1_lo[:NH]], axis=1),
         jnp.concatenate([a0_hi[:N - NH], a1_hi[:N - NH]], axis=1)], axis=0)
    simn = jnp.concatenate([simn_lo[:NH], simn_hi[:N - NH]])[:, None]
    deg = jnp.concatenate([deg_lo[:NH], deg_hi[:N - NH]])[:, None]

    fin = pl.pallas_call(
        _final_body,
        grid=(10,),
        in_specs=[pl.BlockSpec((N // 10, DIM), lambda i: (i, 0)),
                  pl.BlockSpec((DIM, DIM), lambda i: (0, 0)),
                  pl.BlockSpec((N // 10, DIM), lambda i: (i, 0)),
                  pl.BlockSpec((N // 10, 1), lambda i: (i, 0)),
                  pl.BlockSpec((N // 10, 1), lambda i: (i, 0)),
                  pl.BlockSpec((N // 10, 1), lambda i: (i, 0))],
        out_specs=pl.BlockSpec((N // 10, DIM), lambda i: (i, 0)),
        out_shape=jax.ShapeDtypeStruct((N, DIM), f32),
    )
    return fin(x, W_self.T, agg, simn, deg, rs)

# --- scband reference (transcript-rebuilt; emitter-appended) ---
"""Pipeline reference for scband-behavior-aware-gcnlayer-25486335935148 (READ-ONLY COPY).

The authoritative reference and input builder live on the scoring server;
editing this copy changes nothing except your own understanding.
"""

import jax, jax.numpy as jnp
import numpy as np

N = 10000
E = 160000
DIM = 256

def setup_inputs(seed: int = 0) -> dict:
    key = jax.random.key(seed)
    ks = jax.random.split(key, 8)
    x = jax.random.normal(ks[0], (N, DIM), dtype=jnp.float32)
    edge_index = jax.random.randint(ks[1], (2, E), 0, N, dtype=jnp.int64)
    sim_weight = jax.random.uniform(ks[2], (E,), dtype=jnp.float32)
    rep = jax.random.normal(ks[3], (N,), dtype=jnp.float32)
    node_signal = jax.random.normal(ks[4], (N,), dtype=jnp.float32)
    # xavier normal init for linear weights [dim, dim]
    std = float(np.sqrt(2.0 / (DIM + DIM)))
    W = jax.random.normal(ks[5], (DIM, DIM), dtype=jnp.float32) * std
    W_self = jax.random.normal(ks[6], (DIM, DIM), dtype=jnp.float32) * std
    alpha = jnp.array(1.0, dtype=jnp.float32)
    beta = jnp.array(1.0, dtype=jnp.float32)
    alpha_self = jnp.array(1.0, dtype=jnp.float32)
    temp = jnp.array(2.0, dtype=jnp.float32)
    return {"x": x, "edge_index": edge_index, "sim_weight": sim_weight, "rep": rep,
            "node_signal": node_signal, "W": W, "W_self": W_self, "alpha": alpha,
            "beta": beta, "alpha_self": alpha_self, "temp": temp}

def reference(x, edge_index, sim_weight, rep, node_signal, W, W_self, alpha, beta, alpha_self, temp):
    row = edge_index[0]
    col = edge_index[1]
    h = x @ W.T
    h_j = jnp.take(h, col, axis=0)
    gate_input = alpha * jnp.take(rep, row) + beta * jnp.take(rep, col)
    gate = jax.nn.sigmoid(gate_input / temp)[:, None]
    sim_norm = jnp.zeros_like(sim_weight).at[row].add(sim_weight)
    sim = (sim_weight / (jnp.take(sim_norm, row) + 1e-06))[:, None]
    s_j = jnp.tanh(jnp.take(node_signal, col))[:, None]
    msg = sim * gate * s_j * h_j
    out = jnp.zeros_like(x).at[row].add(msg)
    deg = jnp.zeros((x.shape[0],), dtype=x.dtype).at[row].add(gate[:, 0])
    out = out / (deg[:, None] + 1e-06)
    gate_self = jax.nn.sigmoid(alpha_self * rep / temp)[:, None]
    out = out + gate_self * (x @ W_self.T)
    return jax.nn.leaky_relu(out, negative_slope=0.01)

if __name__ == "__main__":
    import jax
    _d = setup_inputs()
    print(jax.jit(kernel)(*tuple(_d.values())))

</pallas_src>

<mosaic_0001>
#map = affine_map<(d0, d1) -> (0)>
#map1 = affine_map<(d0, d1) -> (0, 0)>
module attributes {stable_mosaic.version = 14 : i64} {
  func.func @_sc_body(%arg0: i32, %arg1: i32, %arg2: memref<160000xi32, #tpu.memory_space<hbm>>, %arg3: memref<160000xi32, #tpu.memory_space<hbm>>, %arg4: memref<160000xf32, #tpu.memory_space<hbm>>, %arg5: memref<10000xf32, #tpu.memory_space<hbm>>, %arg6: memref<10000xf32, #tpu.memory_space<hbm>>, %arg7: memref<10000xf32, #tpu.memory_space<hbm>>, %arg8: memref<10000x128xf32, #tpu.memory_space<hbm>>, %arg9: memref<5248x128xf32, #tpu.memory_space<hbm>>, %arg10: memref<5248x128xf32, #tpu.memory_space<hbm>>, %arg11: memref<400xi32, #tpu.memory_space<vmem>>, %arg12: memref<400xi32, #tpu.memory_space<vmem>>, %arg13: memref<400xi32, #tpu.memory_space<vmem>>, %arg14: memref<416xi32, #tpu.memory_space<vmem>>, %arg15: memref<400xf32, #tpu.memory_space<vmem>>, %arg16: memref<400xf32, #tpu.memory_space<vmem>>, %arg17: memref<400xf32, #tpu.memory_space<vmem>>, %arg18: memref<400xf32, #tpu.memory_space<vmem>>, %arg19: memref<416xf32, #tpu.memory_space<vmem>>, %arg20: memref<416xf32, #tpu.memory_space<vmem>>, %arg21: memref<400x128xf32, #tpu.memory_space<vmem>>, %arg22: memref<328xf32, #tpu.memory_space<vmem>>, %arg23: memref<5248x128xf32, #tpu.memory_space<vmem_shared>>, %arg24: memref<!tpu.dma_semaphore, #tpu.memory_space<semaphore_mem>>) attributes {dimension_semantics = [#tpu.dimension_semantics<core_parallel>, #tpu.dimension_semantics<subcore_parallel>], iteration_bounds = array<i64: 2, 16>, scalar_prefetch = 0 : i64, scratch_operands = 14 : i64, tpu.core_type = #tpu.core_type<sc_vector_subcore>, window_params = [{transform_indices = #map}, {transform_indices = #map}, {transform_indices = #map}, {transform_indices = #map}, {transform_indices = #map}, {transform_indices = #map}, {transform_indices = #map1}, {transform_indices = #map1}, {transform_indices = #map1}]} {
    %mul3A = arith.constant 5120 : i32
    %mul3A_0 = arith.muli %arg0, %mul3A : i32
    %broadcast_in_dim3A = arith.constant 0.000000e+00 : f32
    %broadcast_in_dim3A_1 = vector.broadcast %broadcast_in_dim3A : f32 to vector<16xf32>
    %scan3A = arith.constant 0 : i32
    %scan3A_2 = arith.constant 328 : i32
    %scan3A_3 = arith.addi %scan3A, %scan3A_2 : i32
    %scan3A_4 = arith.constant 1 : i32
    scf.for %scan3A_21 = %scan3A to %scan3A_3 step %scan3A_4  : i32 {
      %swap3A = arith.index_cast %scan3A_21 : i32 to index
      %swap3A_22 = arith.constant 0 : index
      %swap3A_23 = tpu.vector_load %arg21[%swap3A, %swap3A_22] {strides = array<i32>} : memref<400x128xf32, #tpu.memory_space<vmem>>, vector<1x16xf32>,
      %swap3A_24 = vector.shape_cast %swap3A_23 : vector<1x16xf32> to vector<16xf32>
      %swap3A_25 = vector.shape_cast %broadcast_in_dim3A_1 : vector<16xf32> to vector<1x16xf32>
      tpu.vector_store %arg21[%swap3A, %swap3A_22], %swap3A_25 {strides = array<i32>} : memref<400x128xf32, #tpu.memory_space<vmem>>, vector<1x16xf32>,
      %swap3A_26 = arith.index_cast %scan3A_21 : i32 to index
      %swap3A_27 = arith.constant 16 : index
      %swap3A_28 = tpu.vector_load %arg21[%swap3A_26, %swap3A_27] {strides = array<i32>} : memref<400x128xf32, #tpu.memory_space<vmem>>, vector<1x16xf32>,
      %swap3A_29 = vector.shape_cast %swap3A_28 : vector<1x16xf32> to vector<16xf32>
      %swap3A_30 = vector.shape_cast %broadcast_in_dim3A_1 : vector<16xf32> to vector<1x16xf32>
      tpu.vector_store %arg21[%swap3A_26, %swap3A_27], %swap3A_30 {strides = array<i32>} : memref<400x128xf32, #tpu.memory_space<vmem>>, vector<1x16xf32>,
      %swap3A_31 = arith.index_cast %scan3A_21 : i32 to index
      %swap3A_32 = arith.constant 32 : index
      %swap3A_33 = tpu.vector_load %arg21[%swap3A_31, %swap3A_32] {strides = array<i32>} : memref<400x128xf32, #tpu.memory_space<vmem>>, vector<1x16xf32>,
      %swap3A_34 = vector.shape_cast %swap3A_33 : vector<1x16xf32> to vector<16xf32>
      %swap3A_35 = vector.shape_cast %broadcast_in_dim3A_1 : vector<16xf32> to vector<1x16xf32>
      tpu.vector_store %arg21[%swap3A_31, %swap3A_32], %swap3A_35 {strides = array<i32>} : memref<400x128xf32, #tpu.memory_space<vmem>>, vector<1x16xf32>,
      %swap3A_36 = arith.index_cast %scan3A_21 : i32 to index
      %swap3A_37 = arith.constant 48 : index
      %swap3A_38 = tpu.vector_load %arg21[%swap3A_36, %swap3A_37] {strides = array<i32>} : memref<400x128xf32, #tpu.memory_space<vmem>>, vector<1x16xf32>,
      %swap3A_39 = vector.shape_cast %swap3A_38 : vector<1x16xf32> to vector<16xf32>
      %swap3A_40 = vector.shape_cast %broadcast_in_dim3A_1 : vector<16xf32> to vector<1x16xf32>
      tpu.vector_store %arg21[%swap3A_36, %swap3A_37], %swap3A_40 {strides = array<i32>} : memref<400x128xf32, #tpu.memory_space<vmem>>, vector<1x16xf32>,
      %swap3A_41 = arith.index_cast %scan3A_21 : i32 to index
      %swap3A_42 = arith.constant 64 : index
      %swap3A_43 = tpu.vector_load %arg21[%swap3A_41, %swap3A_42] {strides = array<i32>} : memref<400x128xf32, #tpu.memory_space<vmem>>, vector<1x16xf32>,
      %swap3A_44 = vector.shape_cast %swap3A_43 : vector<1x16xf32> to vector<16xf32>
      %swap3A_45 = vector.shape_cast %broadcast_in_dim3A_1 : vector<16xf32> to vector<1x16xf32>
      tpu.vector_store %arg21[%swap3A_41, %swap3A_42], %swap3A_45 {strides = array<i32>} : memref<400x128xf32, #tpu.memory_space<vmem>>, vector<1x16xf32>,
      %swap3A_46 = arith.index_cast %scan3A_21 : i32 to index
      %swap3A_47 = arith.constant 80 : index
      %swap3A_48 = tpu.vector_load %arg21[%swap3A_46, %swap3A_47] {strides = array<i32>} : memref<400x128xf32, #tpu.memory_space<vmem>>, vector<1x16xf32>,
      %swap3A_49 = vector.shape_cast %swap3A_48 : vector<1x16xf32> to vector<16xf32>
      %swap3A_50 = vector.shape_cast %broadcast_in_dim3A_1 : vector<16xf32> to vector<1x16xf32>
      tpu.vector_store %arg21[%swap3A_46, %swap3A_47], %swap3A_50 {strides = array<i32>} : memref<400x128xf32, #tpu.memory_space<vmem>>, vector<1x16xf32>,
      %swap3A_51 = arith.index_cast %scan3A_21 : i32 to index
      %swap3A_52 = arith.constant 96 : index
      %swap3A_53 = tpu.vector_load %arg21[%swap3A_51, %swap3A_52] {strides = array<i32>} : memref<400x128xf32, #tpu.memory_space<vmem>>, vector<1x16xf32>,
      %swap3A_54 = vector.shape_cast %swap3A_53 : vector<1x16xf32> to vector<16xf32>
      %swap3A_55 = vector.shape_cast %broadcast_in_dim3A_1 : vector<16xf32> to vector<1x16xf32>
      tpu.vector_store %arg21[%swap3A_51, %swap3A_52], %swap3A_55 {strides = array<i32>} : memref<400x128xf32, #tpu.memory_space<vmem>>, vector<1x16xf32>,
      %swap3A_56 = arith.index_cast %scan3A_21 : i32 to index
      %swap3A_57 = arith.constant 112 : index
      %swap3A_58 = tpu.vector_load %arg21[%swap3A_56, %swap3A_57] {strides = array<i32>} : memref<400x128xf32, #tpu.memory_space<vmem>>, vector<1x16xf32>,
      %swap3A_59 = vector.shape_cast %swap3A_58 : vector<1x16xf32> to vector<16xf32>
      %swap3A_60 = vector.shape_cast %broadcast_in_dim3A_1 : vector<16xf32> to vector<1x16xf32>
      tpu.vector_store %arg21[%swap3A_56, %swap3A_57], %swap3A_60 {strides = array<i32>} : memref<400x128xf32, #tpu.memory_space<vmem>>, vector<1x16xf32>,
    }
    %scan3A_5 = arith.constant 328 : i32
    %mul3A_6 = arith.constant 328 : i32
    %mul3A_7 = arith.muli %arg1, %mul3A_6 : i32
    "tpu.region"() ({
      %run_scoped3A = tpu.sem_alloc : memref<!tpu.dma_semaphore, #tpu.memory_space<semaphore_mem>>
      %dma_start3A = arith.constant 0 : i32
      %dma_start3A_21 = arith.constant 0 : i32
      %dma_start3A_22 = tpu.memref_slice %arg21[%dma_start3A, %dma_start3A_21] : memref<400x128xf32, #tpu.memory_space<vmem>> -> memref<328x128xf32, #tpu.memory_space<vmem>>
      %dma_start3A_23 = arith.constant 0 : i32
      %dma_start3A_24 = tpu.memref_slice %arg23[%mul3A_7, %dma_start3A_23] : memref<5248x128xf32, #tpu.memory_space<vmem_shared>> -> memref<328x128xf32, #tpu.memory_space<vmem_shared>>
      %dma_start3A_25 = arith.constant 0 : i32
      %dma_start3A_26 = tpu.memref_slice %arg23[%mul3A_7, %dma_start3A_25] : memref<5248x128xf32, #tpu.memory_space<vmem_shared>> -> memref<328x128xf32, #tpu.memory_space<vmem_shared>>
      %dma_start3A_27 = arith.constant 0 : i32
      %dma_start3A_28 = arith.constant 0 : i32
      %dma_start3A_29 = tpu.memref_slice %arg21[%dma_start3A_27, %dma_start3A_28] : memref<400x128xf32, #tpu.memory_space<vmem>> -> memref<328x128xf32, #tpu.memory_space<vmem>>
      tpu.enqueue_dma source(%dma_start3A_29 : memref<328x128xf32, #tpu.memory_space<vmem>>) target(%dma_start3A_26 : memref<328x128xf32, #tpu.memory_space<vmem_shared>>) target_semaphore(%run_scoped3A : memref<!tpu.dma_semaphore, #tpu.memory_space<semaphore_mem>>)
      %dma_wait3A = arith.constant 0 : i32
      %dma_wait3A_30 = arith.constant 0 : i32
      %dma_wait3A_31 = tpu.memref_slice %arg21[%dma_wait3A, %dma_wait3A_30] : memref<400x128xf32, #tpu.memory_space<vmem>> -> memref<328x128xf32, #tpu.memory_space<vmem>>
      %dma_wait3A_32 = arith.constant 0 : i32
      %dma_wait3A_33 = tpu.memref_slice %arg23[%mul3A_7, %dma_wait3A_32] : memref<5248x128xf32, #tpu.memory_space<vmem_shared>> -> memref<328x128xf32, #tpu.memory_space<vmem_shared>>
      %dma_wait3A_34 = arith.constant 0 : i32
      %dma_wait3A_35 = tpu.memref_slice %arg23[%mul3A_7, %dma_wait3A_34] : memref<5248x128xf32, #tpu.memory_space<vmem_shared>> -> memref<328x128xf32, #tpu.memory_space<vmem_shared>>
      %dma_wait3A_36 = arith.constant 0 : i32
      %dma_wait3A_37 = arith.constant 0 : i32
      %dma_wait3A_38 = tpu.memref_slice %arg21[%dma_wait3A_36, %dma_wait3A_37] : memref<400x128xf32, #tpu.memory_space<vmem>> -> memref<328x128xf32, #tpu.memory_space<vmem>>
      tpu.wait_dma2 semaphore(%run_scoped3A : memref<!tpu.dma_semaphore, #tpu.memory_space<semaphore_mem>>) src(%dma_wait3A_38 : memref<328x128xf32, #tpu.memory_space<vmem>>) dst(%dma_wait3A_35 : memref<328x128xf32, #tpu.memory_space<vmem_shared>>)
      tpu.yield
    }) : () -> ()
    %barrier3A = arith.constant 0 : index
    tpu.barrier barrier_id(%barrier3A)
    %scan3A_8 = arith.constant 0 : i32
    %scan3A_9 = arith.constant 25 : i32
    %scan3A_10 = arith.addi %scan3A_8, %scan3A_9 : i32
    %scan3A_11 = arith.constant 1 : i32
    scf.for %scan3A_21 = %scan3A_8 to %scan3A_10 step %scan3A_11  : i32 {
      %mul3A_22 = arith.constant 10000 : i32
      %mul3A_23 = arith.muli %arg1, %mul3A_22 : i32
      %mul3A_24 = arith.constant 400 : i32
      %mul3A_25 = arith.muli %scan3A_21, %mul3A_24 : i32
      %add3A = arith.addi %mul3A_23, %mul3A_25 : i32
      %dma_start3A = tpu.memref_slice %arg2[%add3A] : memref<160000xi32, #tpu.memory_space<hbm>> -> memref<400xi32, #tpu.memory_space<hbm>>
      %dma_start3A_26 = tpu.memref_slice %arg2[%add3A] : memref<160000xi32, #tpu.memory_space<hbm>> -> memref<400xi32, #tpu.memory_space<hbm>>
      tpu.enqueue_dma source(%dma_start3A_26 : memref<400xi32, #tpu.memory_space<hbm>>) target(%arg11 : memref<400xi32, #tpu.memory_space<vmem>>) target_semaphore(%arg24 : memref<!tpu.dma_semaphore, #tpu.memory_space<semaphore_mem>>)
      %dma_start3A_27 = tpu.memref_slice %arg3[%add3A] : memref<160000xi32, #tpu.memory_space<hbm>> -> memref<400xi32, #tpu.memory_space<hbm>>
      %dma_start3A_28 = tpu.memref_slice %arg3[%add3A] : memref<160000xi32, #tpu.memory_space<hbm>> -> memref<400xi32, #tpu.memory_space<hbm>>
      tpu.enqueue_dma source(%dma_start3A_28 : memref<400xi32, #tpu.memory_space<hbm>>) target(%arg12 : memref<400xi32, #tpu.memory_space<vmem>>) target_semaphore(%arg24 : memref<!tpu.dma_semaphore, #tpu.memory_space<semaphore_mem>>)
      %dma_start3A_29 = tpu.memref_slice %arg4[%add3A] : memref<160000xf32, #tpu.memory_space<hbm>> -> memref<400xf32, #tpu.memory_space<hbm>>
      %dma_start3A_30 = tpu.memref_slice %arg4[%add3A] : memref<160000xf32, #tpu.memory_space<hbm>> -> memref<400xf32, #tpu.memory_space<hbm>>
      tpu.enqueue_dma source(%dma_start3A_30 : memref<400xf32, #tpu.memory_space<hbm>>) target(%arg15 : memref<400xf32, #tpu.memory_space<vmem>>) target_semaphore(%arg24 : memref<!tpu.dma_semaphore, #tpu.memory_space<semaphore_mem>>)
      %dma_wait3A = tpu.memref_slice %arg2[%add3A] : memref<160000xi32, #tpu.memory_space<hbm>> -> memref<400xi32, #tpu.memory_space<hbm>>
      %dma_wait3A_31 = tpu.memref_slice %arg2[%add3A] : memref<160000xi32, #tpu.memory_space<hbm>> -> memref<400xi32, #tpu.memory_space<hbm>>
      tpu.wait_dma2 semaphore(%arg24 : memref<!tpu.dma_semaphore, #tpu.memory_space<semaphore_mem>>) src(%dma_wait3A_31 : memref<400xi32, #tpu.memory_space<hbm>>) dst(%arg11 : memref<400xi32, #tpu.memory_space<vmem>>)
      %dma_wait3A_32 = tpu.memref_slice %arg3[%add3A] : memref<160000xi32, #tpu.memory_space<hbm>> -> memref<400xi32, #tpu.memory_space<hbm>>
      %dma_wait3A_33 = tpu.memref_slice %arg3[%add3A] : memref<160000xi32, #tpu.memory_space<hbm>> -> memref<400xi32, #tpu.memory_space<hbm>>
      tpu.wait_dma2 semaphore(%arg24 : memref<!tpu.dma_semaphore, #tpu.memory_space<semaphore_mem>>) src(%dma_wait3A_33 : memref<400xi32, #tpu.memory_space<hbm>>) dst(%arg12 : memref<400xi32, #tpu.memory_space<vmem>>)
      %dma_wait3A_34 = tpu.memref_slice %arg4[%add3A] : memref<160000xf32, #tpu.memory_space<hbm>> -> memref<400xf32, #tpu.memory_space<hbm>>
      %dma_wait3A_35 = tpu.memref_slice %arg4[%add3A] : memref<160000xf32, #tpu.memory_space<hbm>> -> memref<400xf32, #tpu.memory_space<hbm>>
      tpu.wait_dma2 semaphore(%arg24 : memref<!tpu.dma_semaphore, #tpu.memory_space<semaphore_mem>>) src(%dma_wait3A_35 : memref<400xf32, #tpu.memory_space<hbm>>) dst(%arg15 : memref<400xf32, #tpu.memory_space<vmem>>)
      %dma_start3A_36 = arith.constant 0 : i32
      %dma_start3A_37 = tpu.memref_slice %arg5[%dma_start3A_36] : memref<10000xf32, #tpu.memory_space<hbm>> -> memref<10000xf32, #tpu.memory_space<hbm>>
      tpu.enqueue_indirect_dma source(%dma_start3A_37 : memref<10000xf32, #tpu.memory_space<hbm>>) target(%arg16 : memref<400xf32, #tpu.memory_space<vmem>>) offsets(%arg11 : memref<400xi32, #tpu.memory_space<vmem>>) semaphore(%arg24 : memref<!tpu.dma_semaphore, #tpu.memory_space<semaphore_mem>>)
      %dma_start3A_38 = arith.constant 0 : i32
      %dma_start3A_39 = tpu.memref_slice %arg6[%dma_start3A_38] : memref<10000xf32, #tpu.memory_space<hbm>> -> memref<10000xf32, #tpu.memory_space<hbm>>
      tpu.enqueue_indirect_dma source(%dma_start3A_39 : memref<10000xf32, #tpu.memory_space<hbm>>) target(%arg17 : memref<400xf32, #tpu.memory_space<vmem>>) offsets(%arg12 : memref<400xi32, #tpu.memory_space<vmem>>) semaphore(%arg24 : memref<!tpu.dma_semaphore, #tpu.memory_space<semaphore_mem>>)
      %dma_start3A_40 = arith.constant 0 : i32
      %dma_start3A_41 = tpu.memref_slice %arg7[%dma_start3A_40] : memref<10000xf32, #tpu.memory_space<hbm>> -> memref<10000xf32, #tpu.memory_space<hbm>>
      tpu.enqueue_indirect_dma source(%dma_start3A_41 : memref<10000xf32, #tpu.memory_space<hbm>>) target(%arg18 : memref<400xf32, #tpu.memory_space<vmem>>) offsets(%arg12 : memref<400xi32, #tpu.memory_space<vmem>>) semaphore(%arg24 : memref<!tpu.dma_semaphore, #tpu.memory_space<semaphore_mem>>)
      %dma_start3A_42 = arith.constant 0 : i32
      %dma_start3A_43 = arith.constant 0 : i32
      %dma_start3A_44 = tpu.memref_slice %arg8[%dma_start3A_42, %dma_start3A_43] : memref<10000x128xf32, #tpu.memory_space<hbm>> -> memref<10000x128xf32, #tpu.memory_space<hbm>>
      tpu.enqueue_indirect_dma source(%dma_start3A_44 : memref<10000x128xf32, #tpu.memory_space<hbm>>) target(%arg21 : memref<400x128xf32, #tpu.memory_space<vmem>>) offsets(%arg12 : memref<400xi32, #tpu.memory_space<vmem>>) semaphore(%arg24 : memref<!tpu.dma_semaphore, #tpu.memory_space<semaphore_mem>>)
      %dma_wait3A_45 = arith.constant 0 : i32
      %dma_wait3A_46 = tpu.memref_slice %arg5[%dma_wait3A_45] : memref<10000xf32, #tpu.memory_space<hbm>> -> memref<10000xf32, #tpu.memory_space<hbm>>
      tpu.wait_indirect_dma semaphore(%arg24 : memref<!tpu.dma_semaphore, #tpu.memory_space<semaphore_mem>>) src(%dma_wait3A_46 : memref<10000xf32, #tpu.memory_space<hbm>>) dst(%arg16 : memref<400xf32, #tpu.memory_space<vmem>>)
      %dma_wait3A_47 = arith.constant 0 : i32
      %dma_wait3A_48 = tpu.memref_slice %arg6[%dma_wait3A_47] : memref<10000xf32, #tpu.memory_space<hbm>> -> memref<10000xf32, #tpu.memory_space<hbm>>
      tpu.wait_indirect_dma semaphore(%arg24 : memref<!tpu.dma_semaphore, #tpu.memory_space<semaphore_mem>>) src(%dma_wait3A_48 : memref<10000xf32, #tpu.memory_space<hbm>>) dst(%arg17 : memref<400xf32, #tpu.memory_space<vmem>>)
      %dma_wait3A_49 = arith.constant 0 : i32
      %dma_wait3A_50 = tpu.memref_slice %arg7[%dma_wait3A_49] : memref<10000xf32, #tpu.memory_space<hbm>> -> memref<10000xf32, #tpu.memory_space<hbm>>
      tpu.wait_indirect_dma semaphore(%arg24 : memref<!tpu.dma_semaphore, #tpu.memory_space<semaphore_mem>>) src(%dma_wait3A_50 : memref<10000xf32, #tpu.memory_space<hbm>>) dst(%arg18 : memref<400xf32, #tpu.memory_space<vmem>>)
      %dma_wait3A_51 = arith.constant 0 : i32
      %dma_wait3A_52 = arith.constant 0 : i32
      %dma_wait3A_53 = tpu.memref_slice %arg8[%dma_wait3A_51, %dma_wait3A_52] : memref<10000x128xf32, #tpu.memory_space<hbm>> -> memref<10000x128xf32, #tpu.memory_space<hbm>>
      tpu.wait_indirect_dma semaphore(%arg24 : memref<!tpu.dma_semaphore, #tpu.memory_space<semaphore_mem>>) src(%dma_wait3A_53 : memref<10000x128xf32, #tpu.memory_space<hbm>>) dst(%arg21 : memref<400x128xf32, #tpu.memory_space<vmem>>)
      %scan3A_54 = arith.constant 0 : i32
      %scan3A_55 = arith.constant 25 : i32
      %scan3A_56 = arith.addi %scan3A_54, %scan3A_55 : i32
      %scan3A_57 = arith.constant 1 : i32
      scf.for %scan3A_65 = %scan3A_54 to %scan3A_56 step %scan3A_57  : i32 {
        %mul3A_66 = arith.constant 16 : i32
        %mul3A_67 = arith.muli %scan3A_65, %mul3A_66 : i32
        %get3A = arith.index_cast %mul3A_67 : i32 to index
        %get3A_68 = tpu.vector_load %arg11[%get3A] {strides = array<i32>} : memref<400xi32, #tpu.memory_space<vmem>>, vector<16xi32>,
        %get3A_69 = vector.shape_cast %get3A_68 : vector<16xi32> to vector<16xi32>
        %sub3A = vector.broadcast %mul3A_0 : i32 to vector<16xi32>
        %sub3A_70 = arith.subi %get3A_69, %sub3A : vector<16xi32>
        %ge3A = arith.constant 0 : i32
        %ge3A_71 = vector.broadcast %ge3A : i32 to vector<16xi32>
        %ge3A_72 = arith.cmpi sge, %sub3A_70, %ge3A_71 : vector<16xi32>
        %lt3A = arith.constant 5120 : i32
        %lt3A_73 = vector.broadcast %lt3A : i32 to vector<16xi32>
        %lt3A_74 = arith.cmpi slt, %sub3A_70, %lt3A_73 : vector<16xi32>
        %and3A = arith.andi %ge3A_72, %lt3A_74 : vector<16xi1>
        %jit3A = arith.constant 5120 : i32
        %broadcast_in_dim3A_75 = vector.broadcast %jit3A : i32 to vector<16xi32>
        %select_n3A = arith.select %and3A, %sub3A_70, %broadcast_in_dim3A_75 : vector<16xi1>, vector<16xi32>
        %swap3A = arith.index_cast %mul3A_67 : i32 to index
        %swap3A_76 = tpu.vector_load %arg13[%swap3A] {strides = array<i32>} : memref<400xi32, #tpu.memory_space<vmem>>, vector<16xi32>,
        %swap3A_77 = vector.shape_cast %swap3A_76 : vector<16xi32> to vector<16xi32>
        %swap3A_78 = vector.shape_cast %select_n3A : vector<16xi32> to vector<16xi32>
        tpu.vector_store %arg13[%swap3A], %swap3A_78 {strides = array<i32>} : memref<400xi32, #tpu.memory_space<vmem>>, vector<16xi32>,
        %swap3A_79 = arith.index_cast %mul3A_67 : i32 to index
        %swap3A_80 = tpu.vector_load %arg14[%swap3A_79] {strides = array<i32>} : memref<416xi32, #tpu.memory_space<vmem>>, vector<16xi32>,
        %swap3A_81 = vector.shape_cast %swap3A_80 : vector<16xi32> to vector<16xi32>
        %swap3A_82 = vector.shape_cast %select_n3A : vector<16xi32> to vector<16xi32>
        tpu.vector_store %arg14[%swap3A_79], %swap3A_82 {strides = array<i32>} : memref<416xi32, #tpu.memory_space<vmem>>, vector<16xi32>,
        %get3A_83 = arith.index_cast %mul3A_67 : i32 to index
        %get3A_84 = tpu.vector_load %arg16[%get3A_83] {strides = array<i32>} : memref<400xf32, #tpu.memory_space<vmem>>, vector<16xf32>,
        %get3A_85 = vector.shape_cast %get3A_84 : vector<16xf32> to vector<16xf32>
        %get3A_86 = arith.index_cast %mul3A_67 : i32 to index
        %get3A_87 = tpu.vector_load %arg17[%get3A_86] {strides = array<i32>} : memref<400xf32, #tpu.memory_space<vmem>>, vector<16xf32>,
        %get3A_88 = vector.shape_cast %get3A_87 : vector<16xf32> to vector<16xf32>
        %add3A_89 = arith.addf %get3A_85, %get3A_88 : vector<16xf32>
        %neg3A = arith.constant 0.000000e+00 : f32
        %neg3A_90 = vector.broadcast %neg3A : f32 to vector<16xf32>
        %neg3A_91 = arith.subf %neg3A_90, %add3A_89 : vector<16xf32>
        %exp3A = math.exp %neg3A_91 : vector<16xf32>
        %add3A_92 = arith.constant 1.000000e+00 : f32
        %add3A_93 = vector.broadcast %add3A_92 : f32 to vector<16xf32>
        %add3A_94 = arith.addf %add3A_93, %exp3A : vector<16xf32>
        %div3A = arith.constant 1.000000e+00 : f32
        %div3A_95 = vector.broadcast %div3A : f32 to vector<16xf32>
        %div3A_96 = arith.divf %div3A_95, %add3A_94 : vector<16xf32>
        %get3A_97 = arith.index_cast %mul3A_67 : i32 to index
        %get3A_98 = tpu.vector_load %arg18[%get3A_97] {strides = array<i32>} : memref<400xf32, #tpu.memory_space<vmem>>, vector<16xf32>,
        %get3A_99 = vector.shape_cast %get3A_98 : vector<16xf32> to vector<16xf32>
        %mul3A_100 = arith.constant 2.000000e+00 : f32
        %mul3A_101 = vector.broadcast %mul3A_100 : f32 to vector<16xf32>
        %mul3A_102 = arith.mulf %mul3A_101, %get3A_99 : vector<16xf32>
        %exp3A_103 = math.exp %mul3A_102 : vector<16xf32>
        %add3A_104 = arith.constant 1.000000e+00 : f32
        %add3A_105 = vector.broadcast %add3A_104 : f32 to vector<16xf32>
        %add3A_106 = arith.addf %exp3A_103, %add3A_105 : vector<16xf32>
        %div3A_107 = arith.constant 2.000000e+00 : f32
        %div3A_108 = vector.broadcast %div3A_107 : f32 to vector<16xf32>
        %div3A_109 = arith.divf %div3A_108, %add3A_106 : vector<16xf32>
        %sub3A_110 = arith.constant 1.000000e+00 : f32
        %sub3A_111 = vector.broadcast %sub3A_110 : f32 to vector<16xf32>
        %sub3A_112 = arith.subf %sub3A_111, %div3A_109 : vector<16xf32>
        %swap3A_113 = arith.index_cast %mul3A_67 : i32 to index
        %swap3A_114 = tpu.vector_load %arg19[%swap3A_113] {strides = array<i32>} : memref<416xf32, #tpu.memory_space<vmem>>, vector<16xf32>,
        %swap3A_115 = vector.shape_cast %swap3A_114 : vector<16xf32> to vector<16xf32>
        %swap3A_116 = vector.shape_cast %div3A_96 : vector<16xf32> to vector<16xf32>
        tpu.vector_store %arg19[%swap3A_113], %swap3A_116 {strides = array<i32>} : memref<416xf32, #tpu.memory_space<vmem>>, vector<16xf32>,
        %get3A_117 = arith.index_cast %mul3A_67 : i32 to index
        %get3A_118 = tpu.vector_load %arg15[%get3A_117] {strides = array<i32>} : memref<400xf32, #tpu.memory_space<vmem>>, vector<16xf32>,
        %get3A_119 = vector.shape_cast %get3A_118 : vector<16xf32> to vector<16xf32>
        %mul3A_120 = arith.mulf %get3A_119, %div3A_96 : vector<16xf32>
        %mul3A_121 = arith.mulf %mul3A_120, %sub3A_112 : vector<16xf32>
        %swap3A_122 = arith.index_cast %mul3A_67 : i32 to index
        %swap3A_123 = tpu.vector_load %arg20[%swap3A_122] {strides = array<i32>} : memref<416xf32, #tpu.memory_space<vmem>>, vector<16xf32>,
        %swap3A_124 = vector.shape_cast %swap3A_123 : vector<16xf32> to vector<16xf32>
        %swap3A_125 = vector.shape_cast %mul3A_121 : vector<16xf32> to vector<16xf32>
        tpu.vector_store %arg20[%swap3A_122], %swap3A_125 {strides = array<i32>} : memref<416xf32, #tpu.memory_space<vmem>>, vector<16xf32>,
      }
      %scan3A_58 = arith.constant 25 : i32
      %scan3A_59 = arith.constant 5120 : i32
      %scan3A_60 = arith.constant 0 : i32
      %scan3A_61 = arith.constant 400 : i32
      %scan3A_62 = arith.addi %scan3A_60, %scan3A_61 : i32
      %scan3A_63 = arith.constant 1 : i32
      scf.for %scan3A_65 = %scan3A_60 to %scan3A_62 step %scan3A_63  : i32 {
        %get3A = arith.index_cast %scan3A_65 : i32 to index
        %get3A_66 = tpu.vector_load %arg14[%get3A] {strides = array<i32>} : memref<416xi32, #tpu.memory_space<vmem>>, vector<16xi32>,
        %get3A_67 = vector.shape_cast %get3A_66 : vector<16xi32> to vector<16xi32>
        %slice3A = vector.extract_strided_slice %get3A_67 {offsets = [0], sizes = [1], strides = [1]} : vector<16xi32> to vector<1xi32>
        %squeeze3A = vector.extract %slice3A[0] : i32 from vector<1xi32>
        %ne3A = arith.cmpi ne, %squeeze3A, %scan3A_59 : i32
        %convert_element_type3A_68 = arith.extui %ne3A : i1 to i32
        %cond3A_69 = arith.constant 0 : i32
        %cond3A_70 = arith.cmpi ne, %convert_element_type3A_68, %cond3A_69 : i32
        scf.if %cond3A_70 {
          %get3A_71 = arith.index_cast %scan3A_65 : i32 to index
          %get3A_72 = tpu.vector_load %arg20[%get3A_71] {strides = array<i32>} : memref<416xf32, #tpu.memory_space<vmem>>, vector<16xf32>,
          %get3A_73 = vector.shape_cast %get3A_72 : vector<16xf32> to vector<16xf32>
          %slice3A_74 = vector.extract_strided_slice %get3A_73 {offsets = [0], sizes = [1], strides = [1]} : vector<16xf32> to vector<1xf32>
          %squeeze3A_75 = vector.extract %slice3A_74[0] : f32 from vector<1xf32>
          %get3A_76 = arith.index_cast %scan3A_65 : i32 to index
          %get3A_77 = arith.constant 0 : index
          %get3A_78 = tpu.vector_load %arg21[%get3A_76, %get3A_77] {strides = array<i32>} : memref<400x128xf32, #tpu.memory_space<vmem>>, vector<1x16xf32>,
          %get3A_79 = vector.shape_cast %get3A_78 : vector<1x16xf32> to vector<16xf32>
          %mul3A_80 = vector.broadcast %squeeze3A_75 : f32 to vector<16xf32>
          %mul3A_81 = arith.mulf %get3A_79, %mul3A_80 : vector<16xf32>
          %swap3A = arith.index_cast %scan3A_65 : i32 to index
          %swap3A_82 = arith.constant 0 : index
          %swap3A_83 = tpu.vector_load %arg21[%swap3A, %swap3A_82] {strides = array<i32>} : memref<400x128xf32, #tpu.memory_space<vmem>>, vector<1x16xf32>,
          %swap3A_84 = vector.shape_cast %swap3A_83 : vector<1x16xf32> to vector<16xf32>
          %swap3A_85 = vector.shape_cast %mul3A_81 : vector<16xf32> to vector<1x16xf32>
          tpu.vector_store %arg21[%swap3A, %swap3A_82], %swap3A_85 {strides = array<i32>} : memref<400x128xf32, #tpu.memory_space<vmem>>, vector<1x16xf32>,
          %get3A_86 = arith.index_cast %scan3A_65 : i32 to index
          %get3A_87 = arith.constant 16 : index
          %get3A_88 = tpu.vector_load %arg21[%get3A_86, %get3A_87] {strides = array<i32>} : memref<400x128xf32, #tpu.memory_space<vmem>>, vector<1x16xf32>,
          %get3A_89 = vector.shape_cast %get3A_88 : vector<1x16xf32> to vector<16xf32>
          %mul3A_90 = vector.broadcast %squeeze3A_75 : f32 to vector<16xf32>
          %mul3A_91 = arith.mulf %get3A_89, %mul3A_90 : vector<16xf32>
          %swap3A_92 = arith.index_cast %scan3A_65 : i32 to index
          %swap3A_93 = arith.constant 16 : index
          %swap3A_94 = tpu.vector_load %arg21[%swap3A_92, %swap3A_93] {strides = array<i32>} : memref<400x128xf32, #tpu.memory_space<vmem>>, vector<1x16xf32>,
          %swap3A_95 = vector.shape_cast %swap3A_94 : vector<1x16xf32> to vector<16xf32>
          %swap3A_96 = vector.shape_cast %mul3A_91 : vector<16xf32> to vector<1x16xf32>
          tpu.vector_store %arg21[%swap3A_92, %swap3A_93], %swap3A_96 {strides = array<i32>} : memref<400x128xf32, #tpu.memory_space<vmem>>, vector<1x16xf32>,
          %get3A_97 = arith.index_cast %scan3A_65 : i32 to index
          %get3A_98 = arith.constant 32 : index
          %get3A_99 = tpu.vector_load %arg21[%get3A_97, %get3A_98] {strides = array<i32>} : memref<400x128xf32, #tpu.memory_space<vmem>>, vector<1x16xf32>,
          %get3A_100 = vector.shape_cast %get3A_99 : vector<1x16xf32> to vector<16xf32>
          %mul3A_101 = vector.broadcast %squeeze3A_75 : f32 to vector<16xf32>
          %mul3A_102 = arith.mulf %get3A_100, %mul3A_101 : vector<16xf32>
          %swap3A_103 = arith.index_cast %scan3A_65 : i32 to index
          %swap3A_104 = arith.constant 32 : index
          %swap3A_105 = tpu.vector_load %arg21[%swap3A_103, %swap3A_104] {strides = array<i32>} : memref<400x128xf32, #tpu.memory_space<vmem>>, vector<1x16xf32>,
          %swap3A_106 = vector.shape_cast %swap3A_105 : vector<1x16xf32> to vector<16xf32>
          %swap3A_107 = vector.shape_cast %mul3A_102 : vector<16xf32> to vector<1x16xf32>
          tpu.vector_store %arg21[%swap3A_103, %swap3A_104], %swap3A_107 {strides = array<i32>} : memref<400x128xf32, #tpu.memory_space<vmem>>, vector<1x16xf32>,
          %get3A_108 = arith.index_cast %scan3A_65 : i32 to index
          %get3A_109 = arith.constant 48 : index
          %get3A_110 = tpu.vector_load %arg21[%get3A_108, %get3A_109] {strides = array<i32>} : memref<400x128xf32, #tpu.memory_space<vmem>>, vector<1x16xf32>,
          %get3A_111 = vector.shape_cast %get3A_110 : vector<1x16xf32> to vector<16xf32>
          %mul3A_112 = vector.broadcast %squeeze3A_75 : f32 to vector<16xf32>
          %mul3A_113 = arith.mulf %get3A_111, %mul3A_112 : vector<16xf32>
          %swap3A_114 = arith.index_cast %scan3A_65 : i32 to index
          %swap3A_115 = arith.constant 48 : index
          %swap3A_116 = tpu.vector_load %arg21[%swap3A_114, %swap3A_115] {strides = array<i32>} : memref<400x128xf32, #tpu.memory_space<vmem>>, vector<1x16xf32>,
          %swap3A_117 = vector.shape_cast %swap3A_116 : vector<1x16xf32> to vector<16xf32>
          %swap3A_118 = vector.shape_cast %mul3A_113 : vector<16xf32> to vector<1x16xf32>
          tpu.vector_store %arg21[%swap3A_114, %swap3A_115], %swap3A_118 {strides = array<i32>} : memref<400x128xf32, #tpu.memory_space<vmem>>, vector<1x16xf32>,
          %get3A_119 = arith.index_cast %scan3A_65 : i32 to index
          %get3A_120 = arith.constant 64 : index
          %get3A_121 = tpu.vector_load %arg21[%get3A_119, %get3A_120] {strides = array<i32>} : memref<400x128xf32, #tpu.memory_space<vmem>>, vector<1x16xf32>,
          %get3A_122 = vector.shape_cast %get3A_121 : vector<1x16xf32> to vector<16xf32>
          %mul3A_123 = vector.broadcast %squeeze3A_75 : f32 to vector<16xf32>
          %mul3A_124 = arith.mulf %get3A_122, %mul3A_123 : vector<16xf32>
          %swap3A_125 = arith.index_cast %scan3A_65 : i32 to index
          %swap3A_126 = arith.constant 64 : index
          %swap3A_127 = tpu.vector_load %arg21[%swap3A_125, %swap3A_126] {strides = array<i32>} : memref<400x128xf32, #tpu.memory_space<vmem>>, vector<1x16xf32>,
          %swap3A_128 = vector.shape_cast %swap3A_127 : vector<1x16xf32> to vector<16xf32>
          %swap3A_129 = vector.shape_cast %mul3A_124 : vector<16xf32> to vector<1x16xf32>
          tpu.vector_store %arg21[%swap3A_125, %swap3A_126], %swap3A_129 {strides = array<i32>} : memref<400x128xf32, #tpu.memory_space<vmem>>, vector<1x16xf32>,
          %get3A_130 = arith.index_cast %scan3A_65 : i32 to index
          %get3A_131 = arith.constant 80 : index
          %get3A_132 = tpu.vector_load %arg21[%get3A_130, %get3A_131] {strides = array<i32>} : memref<400x128xf32, #tpu.memory_space<vmem>>, vector<1x16xf32>,
          %get3A_133 = vector.shape_cast %get3A_132 : vector<1x16xf32> to vector<16xf32>
          %mul3A_134 = vector.broadcast %squeeze3A_75 : f32 to vector<16xf32>
          %mul3A_135 = arith.mulf %get3A_133, %mul3A_134 : vector<16xf32>
          %swap3A_136 = arith.index_cast %scan3A_65 : i32 to index
          %swap3A_137 = arith.constant 80 : index
          %swap3A_138 = tpu.vector_load %arg21[%swap3A_136, %swap3A_137] {strides = array<i32>} : memref<400x128xf32, #tpu.memory_space<vmem>>, vector<1x16xf32>,
          %swap3A_139 = vector.shape_cast %swap3A_138 : vector<1x16xf32> to vector<16xf32>
          %swap3A_140 = vector.shape_cast %mul3A_135 : vector<16xf32> to vector<1x16xf32>
          tpu.vector_store %arg21[%swap3A_136, %swap3A_137], %swap3A_140 {strides = array<i32>} : memref<400x128xf32, #tpu.memory_space<vmem>>, vector<1x16xf32>,
          %get3A_141 = arith.index_cast %scan3A_65 : i32 to index
          %get3A_142 = arith.constant 96 : index
          %get3A_143 = tpu.vector_load %arg21[%get3A_141, %get3A_142] {strides = array<i32>} : memref<400x128xf32, #tpu.memory_space<vmem>>, vector<1x16xf32>,
          %get3A_144 = vector.shape_cast %get3A_143 : vector<1x16xf32> to vector<16xf32>
          %mul3A_145 = vector.broadcast %squeeze3A_75 : f32 to vector<16xf32>
          %mul3A_146 = arith.mulf %get3A_144, %mul3A_145 : vector<16xf32>
          %swap3A_147 = arith.index_cast %scan3A_65 : i32 to index
          %swap3A_148 = arith.constant 96 : index
          %swap3A_149 = tpu.vector_load %arg21[%swap3A_147, %swap3A_148] {strides = array<i32>} : memref<400x128xf32, #tpu.memory_space<vmem>>, vector<1x16xf32>,
          %swap3A_150 = vector.shape_cast %swap3A_149 : vector<1x16xf32> to vector<16xf32>
          %swap3A_151 = vector.shape_cast %mul3A_146 : vector<16xf32> to vector<1x16xf32>
          tpu.vector_store %arg21[%swap3A_147, %swap3A_148], %swap3A_151 {strides = array<i32>} : memref<400x128xf32, #tpu.memory_space<vmem>>, vector<1x16xf32>,
          %get3A_152 = arith.index_cast %scan3A_65 : i32 to index
          %get3A_153 = arith.constant 112 : index
          %get3A_154 = tpu.vector_load %arg21[%get3A_152, %get3A_153] {strides = array<i32>} : memref<400x128xf32, #tpu.memory_space<vmem>>, vector<1x16xf32>,
          %get3A_155 = vector.shape_cast %get3A_154 : vector<1x16xf32> to vector<16xf32>
          %mul3A_156 = vector.broadcast %squeeze3A_75 : f32 to vector<16xf32>
          %mul3A_157 = arith.mulf %get3A_155, %mul3A_156 : vector<16xf32>
          %swap3A_158 = arith.index_cast %scan3A_65 : i32 to index
          %swap3A_159 = arith.constant 112 : index
          %swap3A_160 = tpu.vector_load %arg21[%swap3A_158, %swap3A_159] {strides = array<i32>} : memref<400x128xf32, #tpu.memory_space<vmem>>, vector<1x16xf32>,
          %swap3A_161 = vector.shape_cast %swap3A_160 : vector<1x16xf32> to vector<16xf32>
          %swap3A_162 = vector.shape_cast %mul3A_157 : vector<16xf32> to vector<1x16xf32>
          tpu.vector_store %arg21[%swap3A_158, %swap3A_159], %swap3A_162 {strides = array<i32>} : memref<400x128xf32, #tpu.memory_space<vmem>>, vector<1x16xf32>,
        } else {
        }
      }
      %scan3A_64 = arith.constant 400 : i32
      "tpu.region"() ({
        %run_scoped3A = tpu.sem_alloc : memref<!tpu.dma_semaphore, #tpu.memory_space<semaphore_mem>>
        %dma_start3A_65 = arith.constant 0 : i32
        %dma_start3A_66 = arith.constant 0 : i32
        %dma_start3A_67 = tpu.memref_slice %arg23[%dma_start3A_65, %dma_start3A_66] : memref<5248x128xf32, #tpu.memory_space<vmem_shared>> -> memref<5248x128xf32, #tpu.memory_space<vmem_shared>>
        tpu.enqueue_indirect_dma source(%arg21 : memref<400x128xf32, #tpu.memory_space<vmem>>) target(%dma_start3A_67 : memref<5248x128xf32, #tpu.memory_space<vmem_shared>>) offsets(%arg13 : memref<400xi32, #tpu.memory_space<vmem>>) semaphore(%run_scoped3A : memref<!tpu.dma_semaphore, #tpu.memory_space<semaphore_mem>>) {add = true}
        %dma_wait3A_68 = arith.constant 0 : i32
        %dma_wait3A_69 = arith.constant 0 : i32
        %dma_wait3A_70 = tpu.memref_slice %arg23[%dma_wait3A_68, %dma_wait3A_69] : memref<5248x128xf32, #tpu.memory_space<vmem_shared>> -> memref<5248x128xf32, #tpu.memory_space<vmem_shared>>
        tpu.wait_indirect_dma semaphore(%run_scoped3A : memref<!tpu.dma_semaphore, #tpu.memory_space<semaphore_mem>>) src(%arg21 : memref<400x128xf32, #tpu.memory_space<vmem>>) dst(%dma_wait3A_70 : memref<5248x128xf32, #tpu.memory_space<vmem_shared>>)
        tpu.yield
      }) : () -> ()
    }
    %scan3A_12 = arith.constant 25 : i32
    %barrier3A_13 = arith.constant 0 : index
    tpu.barrier barrier_id(%barrier3A_13)
    %eq3A = arith.constant 0 : i32
    %eq3A_14 = arith.cmpi eq, %arg0, %eq3A : i32
    %convert_element_type3A = arith.extui %eq3A_14 : i1 to i32
    %cond3A = arith.constant 0 : i32
    %cond3A_15 = arith.cmpi ne, %convert_element_type3A, %cond3A : i32
    scf.if %cond3A_15 {
      "tpu.region"() ({
        %run_scoped3A = tpu.sem_alloc : memref<!tpu.dma_semaphore, #tpu.memory_space<semaphore_mem>>
        %dma_start3A = arith.constant 0 : i32
        %dma_start3A_21 = tpu.memref_slice %arg9[%mul3A_7, %dma_start3A] : memref<5248x128xf32, #tpu.memory_space<hbm>> -> memref<328x128xf32, #tpu.memory_space<hbm>>
        %dma_start3A_22 = arith.constant 0 : i32
        %dma_start3A_23 = tpu.memref_slice %arg23[%mul3A_7, %dma_start3A_22] : memref<5248x128xf32, #tpu.memory_space<vmem_shared>> -> memref<328x128xf32, #tpu.memory_space<vmem_shared>>
        tpu.enqueue_dma source(%dma_start3A_23 : memref<328x128xf32, #tpu.memory_space<vmem_shared>>) target(%dma_start3A_21 : memref<328x128xf32, #tpu.memory_space<hbm>>) target_semaphore(%run_scoped3A : memref<!tpu.dma_semaphore, #tpu.memory_space<semaphore_mem>>)
        %dma_wait3A = arith.constant 0 : i32
        %dma_wait3A_24 = tpu.memref_slice %arg9[%mul3A_7, %dma_wait3A] : memref<5248x128xf32, #tpu.memory_space<hbm>> -> memref<328x128xf32, #tpu.memory_space<hbm>>
        %dma_wait3A_25 = arith.constant 0 : i32
        %dma_wait3A_26 = tpu.memref_slice %arg23[%mul3A_7, %dma_wait3A_25] : memref<5248x128xf32, #tpu.memory_space<vmem_shared>> -> memref<328x128xf32, #tpu.memory_space<vmem_shared>>
        tpu.wait_dma2 semaphore(%run_scoped3A : memref<!tpu.dma_semaphore, #tpu.memory_space<semaphore_mem>>) src(%dma_wait3A_26 : memref<328x128xf32, #tpu.memory_space<vmem_shared>>) dst(%dma_wait3A_24 : memref<328x128xf32, #tpu.memory_space<hbm>>)
        tpu.yield
      }) : () -> ()
    } else {
    }
    %eq3A_16 = arith.constant 1 : i32
    %eq3A_17 = arith.cmpi eq, %arg0, %eq3A_16 : i32
    %convert_element_type3A_18 = arith.extui %eq3A_17 : i1 to i32
    %cond3A_19 = arith.constant 0 : i32
    %cond3A_20 = arith.cmpi ne, %convert_element_type3A_18, %cond3A_19 : i32
    scf.if %cond3A_20 {
      "tpu.region"() ({
        %run_scoped3A = tpu.sem_alloc : memref<!tpu.dma_semaphore, #tpu.memory_space<semaphore_mem>>
        %dma_start3A = arith.constant 0 : i32
        %dma_start3A_21 = tpu.memref_slice %arg10[%mul3A_7, %dma_start3A] : memref<5248x128xf32, #tpu.memory_space<hbm>> -> memref<328x128xf32, #tpu.memory_space<hbm>>
        %dma_start3A_22 = arith.constant 0 : i32
        %dma_start3A_23 = tpu.memref_slice %arg23[%mul3A_7, %dma_start3A_22] : memref<5248x128xf32, #tpu.memory_space<vmem_shared>> -> memref<328x128xf32, #tpu.memory_space<vmem_shared>>
        tpu.enqueue_dma source(%dma_start3A_23 : memref<328x128xf32, #tpu.memory_space<vmem_shared>>) target(%dma_start3A_21 : memref<328x128xf32, #tpu.memory_space<hbm>>) target_semaphore(%run_scoped3A : memref<!tpu.dma_semaphore, #tpu.memory_space<semaphore_mem>>)
        %dma_wait3A = arith.constant 0 : i32
        %dma_wait3A_24 = tpu.memref_slice %arg10[%mul3A_7, %dma_wait3A] : memref<5248x128xf32, #tpu.memory_space<hbm>> -> memref<328x128xf32, #tpu.memory_space<hbm>>
        %dma_wait3A_25 = arith.constant 0 : i32
        %dma_wait3A_26 = tpu.memref_slice %arg23[%mul3A_7, %dma_wait3A_25] : memref<5248x128xf32, #tpu.memory_space<vmem_shared>> -> memref<328x128xf32, #tpu.memory_space<vmem_shared>>
        tpu.wait_dma2 semaphore(%run_scoped3A : memref<!tpu.dma_semaphore, #tpu.memory_space<semaphore_mem>>) src(%dma_wait3A_26 : memref<328x128xf32, #tpu.memory_space<vmem_shared>>) dst(%dma_wait3A_24 : memref<328x128xf32, #tpu.memory_space<hbm>>)
        tpu.yield
      }) : () -> ()
    } else {
    }
    return
  }
}

#map = affine_map<(d0, d1) -> (0)>
#map1 = affine_map<(d0, d1) -> (0, 0)>
module attributes {stable_mosaic.version = 14 : i64} {
  func.func @_sc_body(%arg0: i32, %arg1: i32, %arg2: memref<160000xi32, #tpu.memory_space<hbm>>, %arg3: memref<160000xi32, #tpu.memory_space<hbm>>, %arg4: memref<160000xf32, #tpu.memory_space<hbm>>, %arg5: memref<10000xf32, #tpu.memory_space<hbm>>, %arg6: memref<10000xf32, #tpu.memory_space<hbm>>, %arg7: memref<10000xf32, #tpu.memory_space<hbm>>, %arg8: memref<10000x128xf32, #tpu.memory_space<hbm>>, %arg9: memref<5248x128xf32, #tpu.memory_space<hbm>>, %arg10: memref<5248x128xf32, #tpu.memory_space<hbm>>, %arg11: memref<5248xf32, #tpu.memory_space<hbm>>, %arg12: memref<5248xf32, #tpu.memory_space<hbm>>, %arg13: memref<5248xf32, #tpu.memory_space<hbm>>, %arg14: memref<5248xf32, #tpu.memory_space<hbm>>, %arg15: memref<400xi32, #tpu.memory_space<vmem>>, %arg16: memref<400xi32, #tpu.memory_space<vmem>>, %arg17: memref<400xi32, #tpu.memory_space<vmem>>, %arg18: memref<416xi32, #tpu.memory_space<vmem>>, %arg19: memref<400xf32, #tpu.memory_space<vmem>>, %arg20: memref<400xf32, #tpu.memory_space<vmem>>, %arg21: memref<400xf32, #tpu.memory_space<vmem>>, %arg22: memref<400xf32, #tpu.memory_space<vmem>>, %arg23: memref<416xf32, #tpu.memory_space<vmem>>, %arg24: memref<416xf32, #tpu.memory_space<vmem>>, %arg25: memref<400x128xf32, #tpu.memory_space<vmem>>, %arg26: memref<328xf32, #tpu.memory_space<vmem>>, %arg27: memref<5248x128xf32, #tpu.memory_space<vmem_shared>>, %arg28: memref<5248xf32, #tpu.memory_space<vmem_shared>>, %arg29: memref<5248xf32, #tpu.memory_space<vmem_shared>>, %arg30: memref<!tpu.dma_semaphore, #tpu.memory_space<semaphore_mem>>) attributes {dimension_semantics = [#tpu.dimension_semantics<core_parallel>, #tpu.dimension_semantics<subcore_parallel>], iteration_bounds = array<i64: 2, 16>, scalar_prefetch = 0 : i64, scratch_operands = 16 : i64, tpu.core_type = #tpu.core_type<sc_vector_subcore>, window_params = [{transform_indices = #map}, {transform_indices = #map}, {transform_indices = #map}, {transform_indices = #map}, {transform_indices = #map}, {transform_indices = #map}, {transform_indices = #map1}, {transform_indices = #map1}, {transform_indices = #map1}, {transform_indices = #map}, {transform_indices = #map}, {transform_indices = #map}, {transform_indices = #map}]} {
    %mul3A = arith.constant 5120 : i32
    %mul3A_0 = arith.muli %arg0, %mul3A : i32
    %broadcast_in_dim3A = arith.constant 0.000000e+00 : f32
    %broadcast_in_dim3A_1 = vector.broadcast %broadcast_in_dim3A : f32 to vector<16xf32>
    %scan3A = arith.constant 0 : i32
    %scan3A_2 = arith.constant 328 : i32
    %scan3A_3 = arith.addi %scan3A, %scan3A_2 : i32
    %scan3A_4 = arith.constant 1 : i32
    scf.for %scan3A_100 = %scan3A to %scan3A_3 step %scan3A_4  : i32 {
      %swap3A_101 = arith.index_cast %scan3A_100 : i32 to index
      %swap3A_102 = arith.constant 0 : index
      %swap3A_103 = tpu.vector_load %arg25[%swap3A_101, %swap3A_102] {strides = array<i32>} : memref<400x128xf32, #tpu.memory_space<vmem>>, vector<1x16xf32>,
      %swap3A_104 = vector.shape_cast %swap3A_103 : vector<1x16xf32> to vector<16xf32>
      %swap3A_105 = vector.shape_cast %broadcast_in_dim3A_1 : vector<16xf32> to vector<1x16xf32>
      tpu.vector_store %arg25[%swap3A_101, %swap3A_102], %swap3A_105 {strides = array<i32>} : memref<400x128xf32, #tpu.memory_space<vmem>>, vector<1x16xf32>,
      %swap3A_106 = arith.index_cast %scan3A_100 : i32 to index
      %swap3A_107 = arith.constant 16 : index
      %swap3A_108 = tpu.vector_load %arg25[%swap3A_106, %swap3A_107] {strides = array<i32>} : memref<400x128xf32, #tpu.memory_space<vmem>>, vector<1x16xf32>,
      %swap3A_109 = vector.shape_cast %swap3A_108 : vector<1x16xf32> to vector<16xf32>
      %swap3A_110 = vector.shape_cast %broadcast_in_dim3A_1 : vector<16xf32> to vector<1x16xf32>
      tpu.vector_store %arg25[%swap3A_106, %swap3A_107], %swap3A_110 {strides = array<i32>} : memref<400x128xf32, #tpu.memory_space<vmem>>, vector<1x16xf32>,
      %swap3A_111 = arith.index_cast %scan3A_100 : i32 to index
      %swap3A_112 = arith.constant 32 : index
      %swap3A_113 = tpu.vector_load %arg25[%swap3A_111, %swap3A_112] {strides = array<i32>} : memref<400x128xf32, #tpu.memory_space<vmem>>, vector<1x16xf32>,
      %swap3A_114 = vector.shape_cast %swap3A_113 : vector<1x16xf32> to vector<16xf32>
      %swap3A_115 = vector.shape_cast %broadcast_in_dim3A_1 : vector<16xf32> to vector<1x16xf32>
      tpu.vector_store %arg25[%swap3A_111, %swap3A_112], %swap3A_115 {strides = array<i32>} : memref<400x128xf32, #tpu.memory_space<vmem>>, vector<1x16xf32>,
      %swap3A_116 = arith.index_cast %scan3A_100 : i32 to index
      %swap3A_117 = arith.constant 48 : index
      %swap3A_118 = tpu.vector_load %arg25[%swap3A_116, %swap3A_117] {strides = array<i32>} : memref<400x128xf32, #tpu.memory_space<vmem>>, vector<1x16xf32>,
      %swap3A_119 = vector.shape_cast %swap3A_118 : vector<1x16xf32> to vector<16xf32>
      %swap3A_120 = vector.shape_cast %broadcast_in_dim3A_1 : vector<16xf32> to vector<1x16xf32>
      tpu.vector_store %arg25[%swap3A_116, %swap3A_117], %swap3A_120 {strides = array<i32>} : memref<400x128xf32, #tpu.memory_space<vmem>>, vector<1x16xf32>,
      %swap3A_121 = arith.index_cast %scan3A_100 : i32 to index
      %swap3A_122 = arith.constant 64 : index
      %swap3A_123 = tpu.vector_load %arg25[%swap3A_121, %swap3A_122] {strides = array<i32>} : memref<400x128xf32, #tpu.memory_space<vmem>>, vector<1x16xf32>,
      %swap3A_124 = vector.shape_cast %swap3A_123 : vector<1x16xf32> to vector<16xf32>
      %swap3A_125 = vector.shape_cast %broadcast_in_dim3A_1 : vector<16xf32> to vector<1x16xf32>
      tpu.vector_store %arg25[%swap3A_121, %swap3A_122], %swap3A_125 {strides = array<i32>} : memref<400x128xf32, #tpu.memory_space<vmem>>, vector<1x16xf32>,
      %swap3A_126 = arith.index_cast %scan3A_100 : i32 to index
      %swap3A_127 = arith.constant 80 : index
      %swap3A_128 = tpu.vector_load %arg25[%swap3A_126, %swap3A_127] {strides = array<i32>} : memref<400x128xf32, #tpu.memory_space<vmem>>, vector<1x16xf32>,
      %swap3A_129 = vector.shape_cast %swap3A_128 : vector<1x16xf32> to vector<16xf32>
      %swap3A_130 = vector.shape_cast %broadcast_in_dim3A_1 : vector<16xf32> to vector<1x16xf32>
      tpu.vector_store %arg25[%swap3A_126, %swap3A_127], %swap3A_130 {strides = array<i32>} : memref<400x128xf32, #tpu.memory_space<vmem>>, vector<1x16xf32>,
      %swap3A_131 = arith.index_cast %scan3A_100 : i32 to index
      %swap3A_132 = arith.constant 96 : index
      %swap3A_133 = tpu.vector_load %arg25[%swap3A_131, %swap3A_132] {strides = array<i32>} : memref<400x128xf32, #tpu.memory_space<vmem>>, vector<1x16xf32>,
      %swap3A_134 = vector.shape_cast %swap3A_133 : vector<1x16xf32> to vector<16xf32>
      %swap3A_135 = vector.shape_cast %broadcast_in_dim3A_1 : vector<16xf32> to vector<1x16xf32>
      tpu.vector_store %arg25[%swap3A_131, %swap3A_132], %swap3A_135 {strides = array<i32>} : memref<400x128xf32, #tpu.memory_space<vmem>>, vector<1x16xf32>,
      %swap3A_136 = arith.index_cast %scan3A_100 : i32 to index
      %swap3A_137 = arith.constant 112 : index
      %swap3A_138 = tpu.vector_load %arg25[%swap3A_136, %swap3A_137] {strides = array<i32>} : memref<400x128xf32, #tpu.memory_space<vmem>>, vector<1x16xf32>,
      %swap3A_139 = vector.shape_cast %swap3A_138 : vector<1x16xf32> to vector<16xf32>
      %swap3A_140 = vector.shape_cast %broadcast_in_dim3A_1 : vector<16xf32> to vector<1x16xf32>
      tpu.vector_store %arg25[%swap3A_136, %swap3A_137], %swap3A_140 {strides = array<i32>} : memref<400x128xf32, #tpu.memory_space<vmem>>, vector<1x16xf32>,
    }
    %scan3A_5 = arith.constant 328 : i32
    %mul3A_6 = arith.constant 328 : i32
    %mul3A_7 = arith.muli %arg1, %mul3A_6 : i32
    "tpu.region"() ({
      %run_scoped3A = tpu.sem_alloc : memref<!tpu.dma_semaphore, #tpu.memory_space<semaphore_mem>>
      %dma_start3A = arith.constant 0 : i32
      %dma_start3A_100 = arith.constant 0 : i32
      %dma_start3A_101 = tpu.memref_slice %arg25[%dma_start3A, %dma_start3A_100] : memref<400x128xf32, #tpu.memory_space<vmem>> -> memref<328x128xf32, #tpu.memory_space<vmem>>
      %dma_start3A_102 = arith.constant 0 : i32
      %dma_start3A_103 = tpu.memref_slice %arg27[%mul3A_7, %dma_start3A_102] : memref<5248x128xf32, #tpu.memory_space<vmem_shared>> -> memref<328x128xf32, #tpu.memory_space<vmem_shared>>
      %dma_start3A_104 = arith.constant 0 : i32
      %dma_start3A_105 = tpu.memref_slice %arg27[%mul3A_7, %dma_start3A_104] : memref<5248x128xf32, #tpu.memory_space<vmem_shared>> -> memref<328x128xf32, #tpu.memory_space<vmem_shared>>
      %dma_start3A_106 = arith.constant 0 : i32
      %dma_start3A_107 = arith.constant 0 : i32
      %dma_start3A_108 = tpu.memref_slice %arg25[%dma_start3A_106, %dma_start3A_107] : memref<400x128xf32, #tpu.memory_space<vmem>> -> memref<328x128xf32, #tpu.memory_space<vmem>>
      tpu.enqueue_dma source(%dma_start3A_108 : memref<328x128xf32, #tpu.memory_space<vmem>>) target(%dma_start3A_105 : memref<328x128xf32, #tpu.memory_space<vmem_shared>>) target_semaphore(%run_scoped3A : memref<!tpu.dma_semaphore, #tpu.memory_space<semaphore_mem>>)
      %dma_wait3A = arith.constant 0 : i32
      %dma_wait3A_109 = arith.constant 0 : i32
      %dma_wait3A_110 = tpu.memref_slice %arg25[%dma_wait3A, %dma_wait3A_109] : memref<400x128xf32, #tpu.memory_space<vmem>> -> memref<328x128xf32, #tpu.memory_space<vmem>>
      %dma_wait3A_111 = arith.constant 0 : i32
      %dma_wait3A_112 = tpu.memref_slice %arg27[%mul3A_7, %dma_wait3A_111] : memref<5248x128xf32, #tpu.memory_space<vmem_shared>> -> memref<328x128xf32, #tpu.memory_space<vmem_shared>>
      %dma_wait3A_113 = arith.constant 0 : i32
      %dma_wait3A_114 = tpu.memref_slice %arg27[%mul3A_7, %dma_wait3A_113] : memref<5248x128xf32, #tpu.memory_space<vmem_shared>> -> memref<328x128xf32, #tpu.memory_space<vmem_shared>>
      %dma_wait3A_115 = arith.constant 0 : i32
      %dma_wait3A_116 = arith.constant 0 : i32
      %dma_wait3A_117 = tpu.memref_slice %arg25[%dma_wait3A_115, %dma_wait3A_116] : memref<400x128xf32, #tpu.memory_space<vmem>> -> memref<328x128xf32, #tpu.memory_space<vmem>>
      tpu.wait_dma2 semaphore(%run_scoped3A : memref<!tpu.dma_semaphore, #tpu.memory_space<semaphore_mem>>) src(%dma_wait3A_117 : memref<328x128xf32, #tpu.memory_space<vmem>>) dst(%dma_wait3A_114 : memref<328x128xf32, #tpu.memory_space<vmem_shared>>)
      tpu.yield
    }) : () -> ()
    %swap3A = arith.constant 0 : index
    %swap3A_8 = tpu.vector_load %arg26[%swap3A] {strides = array<i32>} : memref<328xf32, #tpu.memory_space<vmem>>, vector<16xf32>,
    %swap3A_9 = vector.shape_cast %swap3A_8 : vector<16xf32> to vector<16xf32>
    %swap3A_10 = vector.shape_cast %broadcast_in_dim3A_1 : vector<16xf32> to vector<16xf32>
    tpu.vector_store %arg26[%swap3A], %swap3A_10 {strides = array<i32>} : memref<328xf32, #tpu.memory_space<vmem>>, vector<16xf32>,
    %swap3A_11 = arith.constant 16 : index
    %swap3A_12 = tpu.vector_load %arg26[%swap3A_11] {strides = array<i32>} : memref<328xf32, #tpu.memory_space<vmem>>, vector<16xf32>,
    %swap3A_13 = vector.shape_cast %swap3A_12 : vector<16xf32> to vector<16xf32>
    %swap3A_14 = vector.shape_cast %broadcast_in_dim3A_1 : vector<16xf32> to vector<16xf32>
    tpu.vector_store %arg26[%swap3A_11], %swap3A_14 {strides = array<i32>} : memref<328xf32, #tpu.memory_space<vmem>>, vector<16xf32>,
    %swap3A_15 = arith.constant 32 : index
    %swap3A_16 = tpu.vector_load %arg26[%swap3A_15] {strides = array<i32>} : memref<328xf32, #tpu.memory_space<vmem>>, vector<16xf32>,
    %swap3A_17 = vector.shape_cast %swap3A_16 : vector<16xf32> to vector<16xf32>
    %swap3A_18 = vector.shape_cast %broadcast_in_dim3A_1 : vector<16xf32> to vector<16xf32>
    tpu.vector_store %arg26[%swap3A_15], %swap3A_18 {strides = array<i32>} : memref<328xf32, #tpu.memory_space<vmem>>, vector<16xf32>,
    %swap3A_19 = arith.constant 48 : index
    %swap3A_20 = tpu.vector_load %arg26[%swap3A_19] {strides = array<i32>} : memref<328xf32, #tpu.memory_space<vmem>>, vector<16xf32>,
    %swap3A_21 = vector.shape_cast %swap3A_20 : vector<16xf32> to vector<16xf32>
    %swap3A_22 = vector.shape_cast %broadcast_in_dim3A_1 : vector<16xf32> to vector<16xf32>
    tpu.vector_store %arg26[%swap3A_19], %swap3A_22 {strides = array<i32>} : memref<328xf32, #tpu.memory_space<vmem>>, vector<16xf32>,
    %swap3A_23 = arith.constant 64 : index
    %swap3A_24 = tpu.vector_load %arg26[%swap3A_23] {strides = array<i32>} : memref<328xf32, #tpu.memory_space<vmem>>, vector<16xf32>,
    %swap3A_25 = vector.shape_cast %swap3A_24 : vector<16xf32> to vector<16xf32>
    %swap3A_26 = vector.shape_cast %broadcast_in_dim3A_1 : vector<16xf32> to vector<16xf32>
    tpu.vector_store %arg26[%swap3A_23], %swap3A_26 {strides = array<i32>} : memref<328xf32, #tpu.memory_space<vmem>>, vector<16xf32>,
    %swap3A_27 = arith.constant 80 : index
    %swap3A_28 = tpu.vector_load %arg26[%swap3A_27] {strides = array<i32>} : memref<328xf32, #tpu.memory_space<vmem>>, vector<16xf32>,
    %swap3A_29 = vector.shape_cast %swap3A_28 : vector<16xf32> to vector<16xf32>
    %swap3A_30 = vector.shape_cast %broadcast_in_dim3A_1 : vector<16xf32> to vector<16xf32>
    tpu.vector_store %arg26[%swap3A_27], %swap3A_30 {strides = array<i32>} : memref<328xf32, #tpu.memory_space<vmem>>, vector<16xf32>,
    %swap3A_31 = arith.constant 96 : index
    %swap3A_32 = tpu.vector_load %arg26[%swap3A_31] {strides = array<i32>} : memref<328xf32, #tpu.memory_space<vmem>>, vector<16xf32>,
    %swap3A_33 = vector.shape_cast %swap3A_32 : vector<16xf32> to vector<16xf32>
    %swap3A_34 = vector.shape_cast %broadcast_in_dim3A_1 : vector<16xf32> to vector<16xf32>
    tpu.vector_store %arg26[%swap3A_31], %swap3A_34 {strides = array<i32>} : memref<328xf32, #tpu.memory_space<vmem>>, vector<16xf32>,
    %swap3A_35 = arith.constant 112 : index
    %swap3A_36 = tpu.vector_load %arg26[%swap3A_35] {strides = array<i32>} : memref<328xf32, #tpu.memory_space<vmem>>, vector<16xf32>,
    %swap3A_37 = vector.shape_cast %swap3A_36 : vector<16xf32> to vector<16xf32>
    %swap3A_38 = vector.shape_cast %broadcast_in_dim3A_1 : vector<16xf32> to vector<16xf32>
    tpu.vector_store %arg26[%swap3A_35], %swap3A_38 {strides = array<i32>} : memref<328xf32, #tpu.memory_space<vmem>>, vector<16xf32>,
    %swap3A_39 = arith.constant 128 : index
    %swap3A_40 = tpu.vector_load %arg26[%swap3A_39] {strides = array<i32>} : memref<328xf32, #tpu.memory_space<vmem>>, vector<16xf32>,
    %swap3A_41 = vector.shape_cast %swap3A_40 : vector<16xf32> to vector<16xf32>
    %swap3A_42 = vector.shape_cast %broadcast_in_dim3A_1 : vector<16xf32> to vector<16xf32>
    tpu.vector_store %arg26[%swap3A_39], %swap3A_42 {strides = array<i32>} : memref<328xf32, #tpu.memory_space<vmem>>, vector<16xf32>,
    %swap3A_43 = arith.constant 144 : index
    %swap3A_44 = tpu.vector_load %arg26[%swap3A_43] {strides = array<i32>} : memref<328xf32, #tpu.memory_space<vmem>>, vector<16xf32>,
    %swap3A_45 = vector.shape_cast %swap3A_44 : vector<16xf32> to vector<16xf32>
    %swap3A_46 = vector.shape_cast %broadcast_in_dim3A_1 : vector<16xf32> to vector<16xf32>
    tpu.vector_store %arg26[%swap3A_43], %swap3A_46 {strides = array<i32>} : memref<328xf32, #tpu.memory_space<vmem>>, vector<16xf32>,
    %swap3A_47 = arith.constant 160 : index
    %swap3A_48 = tpu.vector_load %arg26[%swap3A_47] {strides = array<i32>} : memref<328xf32, #tpu.memory_space<vmem>>, vector<16xf32>,
    %swap3A_49 = vector.shape_cast %swap3A_48 : vector<16xf32> to vector<16xf32>
    %swap3A_50 = vector.shape_cast %broadcast_in_dim3A_1 : vector<16xf32> to vector<16xf32>
    tpu.vector_store %arg26[%swap3A_47], %swap3A_50 {strides = array<i32>} : memref<328xf32, #tpu.memory_space<vmem>>, vector<16xf32>,
    %swap3A_51 = arith.constant 176 : index
    %swap3A_52 = tpu.vector_load %arg26[%swap3A_51] {strides = array<i32>} : memref<328xf32, #tpu.memory_space<vmem>>, vector<16xf32>,
    %swap3A_53 = vector.shape_cast %swap3A_52 : vector<16xf32> to vector<16xf32>
    %swap3A_54 = vector.shape_cast %broadcast_in_dim3A_1 : vector<16xf32> to vector<16xf32>
    tpu.vector_store %arg26[%swap3A_51], %swap3A_54 {strides = array<i32>} : memref<328xf32, #tpu.memory_space<vmem>>, vector<16xf32>,
    %swap3A_55 = arith.constant 192 : index
    %swap3A_56 = tpu.vector_load %arg26[%swap3A_55] {strides = array<i32>} : memref<328xf32, #tpu.memory_space<vmem>>, vector<16xf32>,
    %swap3A_57 = vector.shape_cast %swap3A_56 : vector<16xf32> to vector<16xf32>
    %swap3A_58 = vector.shape_cast %broadcast_in_dim3A_1 : vector<16xf32> to vector<16xf32>
    tpu.vector_store %arg26[%swap3A_55], %swap3A_58 {strides = array<i32>} : memref<328xf32, #tpu.memory_space<vmem>>, vector<16xf32>,
    %swap3A_59 = arith.constant 208 : index
    %swap3A_60 = tpu.vector_load %arg26[%swap3A_59] {strides = array<i32>} : memref<328xf32, #tpu.memory_space<vmem>>, vector<16xf32>,
    %swap3A_61 = vector.shape_cast %swap3A_60 : vector<16xf32> to vector<16xf32>
    %swap3A_62 = vector.shape_cast %broadcast_in_dim3A_1 : vector<16xf32> to vector<16xf32>
    tpu.vector_store %arg26[%swap3A_59], %swap3A_62 {strides = array<i32>} : memref<328xf32, #tpu.memory_space<vmem>>, vector<16xf32>,
    %swap3A_63 = arith.constant 224 : index
    %swap3A_64 = tpu.vector_load %arg26[%swap3A_63] {strides = array<i32>} : memref<328xf32, #tpu.memory_space<vmem>>, vector<16xf32>,
    %swap3A_65 = vector.shape_cast %swap3A_64 : vector<16xf32> to vector<16xf32>
    %swap3A_66 = vector.shape_cast %broadcast_in_dim3A_1 : vector<16xf32> to vector<16xf32>
    tpu.vector_store %arg26[%swap3A_63], %swap3A_66 {strides = array<i32>} : memref<328xf32, #tpu.memory_space<vmem>>, vector<16xf32>,
    %swap3A_67 = arith.constant 240 : index
    %swap3A_68 = tpu.vector_load %arg26[%swap3A_67] {strides = array<i32>} : memref<328xf32, #tpu.memory_space<vmem>>, vector<16xf32>,
    %swap3A_69 = vector.shape_cast %swap3A_68 : vector<16xf32> to vector<16xf32>
    %swap3A_70 = vector.shape_cast %broadcast_in_dim3A_1 : vector<16xf32> to vector<16xf32>
    tpu.vector_store %arg26[%swap3A_67], %swap3A_70 {strides = array<i32>} : memref<328xf32, #tpu.memory_space<vmem>>, vector<16xf32>,
    %swap3A_71 = arith.constant 256 : index
    %swap3A_72 = tpu.vector_load %arg26[%swap3A_71] {strides = array<i32>} : memref<328xf32, #tpu.memory_space<vmem>>, vector<16xf32>,
    %swap3A_73 = vector.shape_cast %swap3A_72 : vector<16xf32> to vector<16xf32>
    %swap3A_74 = vector.shape_cast %broadcast_in_dim3A_1 : vector<16xf32> to vector<16xf32>
    tpu.vector_store %arg26[%swap3A_71], %swap3A_74 {strides = array<i32>} : memref<328xf32, #tpu.memory_space<vmem>>, vector<16xf32>,
    %swap3A_75 = arith.constant 272 : index
    %swap3A_76 = tpu.vector_load %arg26[%swap3A_75] {strides = array<i32>} : memref<328xf32, #tpu.memory_space<vmem>>, vector<16xf32>,
    %swap3A_77 = vector.shape_cast %swap3A_76 : vector<16xf32> to vector<16xf32>
    %swap3A_78 = vector.shape_cast %broadcast_in_dim3A_1 : vector<16xf32> to vector<16xf32>
    tpu.vector_store %arg26[%swap3A_75], %swap3A_78 {strides = array<i32>} : memref<328xf32, #tpu.memory_space<vmem>>, vector<16xf32>,
    %swap3A_79 = arith.constant 288 : index
    %swap3A_80 = tpu.vector_load %arg26[%swap3A_79] {strides = array<i32>} : memref<328xf32, #tpu.memory_space<vmem>>, vector<16xf32>,
    %swap3A_81 = vector.shape_cast %swap3A_80 : vector<16xf32> to vector<16xf32>
    %swap3A_82 = vector.shape_cast %broadcast_in_dim3A_1 : vector<16xf32> to vector<16xf32>
    tpu.vector_store %arg26[%swap3A_79], %swap3A_82 {strides = array<i32>} : memref<328xf32, #tpu.memory_space<vmem>>, vector<16xf32>,
    %swap3A_83 = arith.constant 304 : index
    %swap3A_84 = tpu.vector_load %arg26[%swap3A_83] {strides = array<i32>} : memref<328xf32, #tpu.memory_space<vmem>>, vector<16xf32>,
    %swap3A_85 = vector.shape_cast %swap3A_84 : vector<16xf32> to vector<16xf32>
    %swap3A_86 = vector.shape_cast %broadcast_in_dim3A_1 : vector<16xf32> to vector<16xf32>
    tpu.vector_store %arg26[%swap3A_83], %swap3A_86 {strides = array<i32>} : memref<328xf32, #tpu.memory_space<vmem>>, vector<16xf32>,
    "tpu.region"() ({
      %run_scoped3A = tpu.sem_alloc : memref<!tpu.dma_semaphore, #tpu.memory_space<semaphore_mem>>
      %dma_start3A = tpu.memref_slice %arg28[%mul3A_7] : memref<5248xf32, #tpu.memory_space<vmem_shared>> -> memref<328xf32, #tpu.memory_space<vmem_shared>>
      %dma_start3A_100 = tpu.memref_slice %arg28[%mul3A_7] : memref<5248xf32, #tpu.memory_space<vmem_shared>> -> memref<328xf32, #tpu.memory_space<vmem_shared>>
      tpu.enqueue_dma source(%arg26 : memref<328xf32, #tpu.memory_space<vmem>>) target(%dma_start3A_100 : memref<328xf32, #tpu.memory_space<vmem_shared>>) target_semaphore(%run_scoped3A : memref<!tpu.dma_semaphore, #tpu.memory_space<semaphore_mem>>)
      %dma_wait3A = tpu.memref_slice %arg28[%mul3A_7] : memref<5248xf32, #tpu.memory_space<vmem_shared>> -> memref<328xf32, #tpu.memory_space<vmem_shared>>
      %dma_wait3A_101 = tpu.memref_slice %arg28[%mul3A_7] : memref<5248xf32, #tpu.memory_space<vmem_shared>> -> memref<328xf32, #tpu.memory_space<vmem_shared>>
      tpu.wait_dma2 semaphore(%run_scoped3A : memref<!tpu.dma_semaphore, #tpu.memory_space<semaphore_mem>>) src(%arg26 : memref<328xf32, #tpu.memory_space<vmem>>) dst(%dma_wait3A_101 : memref<328xf32, #tpu.memory_space<vmem_shared>>)
      tpu.yield
    }) : () -> ()
    "tpu.region"() ({
      %run_scoped3A = tpu.sem_alloc : memref<!tpu.dma_semaphore, #tpu.memory_space<semaphore_mem>>
      %dma_start3A = tpu.memref_slice %arg29[%mul3A_7] : memref<5248xf32, #tpu.memory_space<vmem_shared>> -> memref<328xf32, #tpu.memory_space<vmem_shared>>
      %dma_start3A_100 = tpu.memref_slice %arg29[%mul3A_7] : memref<5248xf32, #tpu.memory_space<vmem_shared>> -> memref<328xf32, #tpu.memory_space<vmem_shared>>
      tpu.enqueue_dma source(%arg26 : memref<328xf32, #tpu.memory_space<vmem>>) target(%dma_start3A_100 : memref<328xf32, #tpu.memory_space<vmem_shared>>) target_semaphore(%run_scoped3A : memref<!tpu.dma_semaphore, #tpu.memory_space<semaphore_mem>>)
      %dma_wait3A = tpu.memref_slice %arg29[%mul3A_7] : memref<5248xf32, #tpu.memory_space<vmem_shared>> -> memref<328xf32, #tpu.memory_space<vmem_shared>>
      %dma_wait3A_101 = tpu.memref_slice %arg29[%mul3A_7] : memref<5248xf32, #tpu.memory_space<vmem_shared>> -> memref<328xf32, #tpu.memory_space<vmem_shared>>
      tpu.wait_dma2 semaphore(%run_scoped3A : memref<!tpu.dma_semaphore, #tpu.memory_space<semaphore_mem>>) src(%arg26 : memref<328xf32, #tpu.memory_space<vmem>>) dst(%dma_wait3A_101 : memref<328xf32, #tpu.memory_space<vmem_shared>>)
      tpu.yield
    }) : () -> ()
    %barrier3A = arith.constant 0 : index
    tpu.barrier barrier_id(%barrier3A)
    %scan3A_87 = arith.constant 0 : i32
    %scan3A_88 = arith.constant 25 : i32
    %scan3A_89 = arith.addi %scan3A_87, %scan3A_88 : i32
    %scan3A_90 = arith.constant 1 : i32
    scf.for %scan3A_100 = %scan3A_87 to %scan3A_89 step %scan3A_90  : i32 {
      %mul3A_101 = arith.constant 10000 : i32
      %mul3A_102 = arith.muli %arg1, %mul3A_101 : i32
      %mul3A_103 = arith.constant 400 : i32
      %mul3A_104 = arith.muli %scan3A_100, %mul3A_103 : i32
      %add3A = arith.addi %mul3A_102, %mul3A_104 : i32
      %dma_start3A = tpu.memref_slice %arg2[%add3A] : memref<160000xi32, #tpu.memory_space<hbm>> -> memref<400xi32, #tpu.memory_space<hbm>>
      %dma_start3A_105 = tpu.memref_slice %arg2[%add3A] : memref<160000xi32, #tpu.memory_space<hbm>> -> memref<400xi32, #tpu.memory_space<hbm>>
      tpu.enqueue_dma source(%dma_start3A_105 : memref<400xi32, #tpu.memory_space<hbm>>) target(%arg15 : memref<400xi32, #tpu.memory_space<vmem>>) target_semaphore(%arg30 : memref<!tpu.dma_semaphore, #tpu.memory_space<semaphore_mem>>)
      %dma_start3A_106 = tpu.memref_slice %arg3[%add3A] : memref<160000xi32, #tpu.memory_space<hbm>> -> memref<400xi32, #tpu.memory_space<hbm>>
      %dma_start3A_107 = tpu.memref_slice %arg3[%add3A] : memref<160000xi32, #tpu.memory_space<hbm>> -> memref<400xi32, #tpu.memory_space<hbm>>
      tpu.enqueue_dma source(%dma_start3A_107 : memref<400xi32, #tpu.memory_space<hbm>>) target(%arg16 : memref<400xi32, #tpu.memory_space<vmem>>) target_semaphore(%arg30 : memref<!tpu.dma_semaphore, #tpu.memory_space<semaphore_mem>>)
      %dma_start3A_108 = tpu.memref_slice %arg4[%add3A] : memref<160000xf32, #tpu.memory_space<hbm>> -> memref<400xf32, #tpu.memory_space<hbm>>
      %dma_start3A_109 = tpu.memref_slice %arg4[%add3A] : memref<160000xf32, #tpu.memory_space<hbm>> -> memref<400xf32, #tpu.memory_space<hbm>>
      tpu.enqueue_dma source(%dma_start3A_109 : memref<400xf32, #tpu.memory_space<hbm>>) target(%arg19 : memref<400xf32, #tpu.memory_space<vmem>>) target_semaphore(%arg30 : memref<!tpu.dma_semaphore, #tpu.memory_space<semaphore_mem>>)
      %dma_wait3A = tpu.memref_slice %arg2[%add3A] : memref<160000xi32, #tpu.memory_space<hbm>> -> memref<400xi32, #tpu.memory_space<hbm>>
      %dma_wait3A_110 = tpu.memref_slice %arg2[%add3A] : memref<160000xi32, #tpu.memory_space<hbm>> -> memref<400xi32, #tpu.memory_space<hbm>>
      tpu.wait_dma2 semaphore(%arg30 : memref<!tpu.dma_semaphore, #tpu.memory_space<semaphore_mem>>) src(%dma_wait3A_110 : memref<400xi32, #tpu.memory_space<hbm>>) dst(%arg15 : memref<400xi32, #tpu.memory_space<vmem>>)
      %dma_wait3A_111 = tpu.memref_slice %arg3[%add3A] : memref<160000xi32, #tpu.memory_space<hbm>> -> memref<400xi32, #tpu.memory_space<hbm>>
      %dma_wait3A_112 = tpu.memref_slice %arg3[%add3A] : memref<160000xi32, #tpu.memory_space<hbm>> -> memref<400xi32, #tpu.memory_space<hbm>>
      tpu.wait_dma2 semaphore(%arg30 : memref<!tpu.dma_semaphore, #tpu.memory_space<semaphore_mem>>) src(%dma_wait3A_112 : memref<400xi32, #tpu.memory_space<hbm>>) dst(%arg16 : memref<400xi32, #tpu.memory_space<vmem>>)
      %dma_wait3A_113 = tpu.memref_slice %arg4[%add3A] : memref<160000xf32, #tpu.memory_space<hbm>> -> memref<400xf32, #tpu.memory_space<hbm>>
      %dma_wait3A_114 = tpu.memref_slice %arg4[%add3A] : memref<160000xf32, #tpu.memory_space<hbm>> -> memref<400xf32, #tpu.memory_space<hbm>>
      tpu.wait_dma2 semaphore(%arg30 : memref<!tpu.dma_semaphore, #tpu.memory_space<semaphore_mem>>) src(%dma_wait3A_114 : memref<400xf32, #tpu.memory_space<hbm>>) dst(%arg19 : memref<400xf32, #tpu.memory_space<vmem>>)
      %dma_start3A_115 = arith.constant 0 : i32
      %dma_start3A_116 = tpu.memref_slice %arg5[%dma_start3A_115] : memref<10000xf32, #tpu.memory_space<hbm>> -> memref<10000xf32, #tpu.memory_space<hbm>>
      tpu.enqueue_indirect_dma source(%dma_start3A_116 : memref<10000xf32, #tpu.memory_space<hbm>>) target(%arg20 : memref<400xf32, #tpu.memory_space<vmem>>) offsets(%arg15 : memref<400xi32, #tpu.memory_space<vmem>>) semaphore(%arg30 : memref<!tpu.dma_semaphore, #tpu.memory_space<semaphore_mem>>)
      %dma_start3A_117 = arith.constant 0 : i32
      %dma_start3A_118 = tpu.memref_slice %arg6[%dma_start3A_117] : memref<10000xf32, #tpu.memory_space<hbm>> -> memref<10000xf32, #tpu.memory_space<hbm>>
      tpu.enqueue_indirect_dma source(%dma_start3A_118 : memref<10000xf32, #tpu.memory_space<hbm>>) target(%arg21 : memref<400xf32, #tpu.memory_space<vmem>>) offsets(%arg16 : memref<400xi32, #tpu.memory_space<vmem>>) semaphore(%arg30 : memref<!tpu.dma_semaphore, #tpu.memory_space<semaphore_mem>>)
      %dma_start3A_119 = arith.constant 0 : i32
      %dma_start3A_120 = tpu.memref_slice %arg7[%dma_start3A_119] : memref<10000xf32, #tpu.memory_space<hbm>> -> memref<10000xf32, #tpu.memory_space<hbm>>
      tpu.enqueue_indirect_dma source(%dma_start3A_120 : memref<10000xf32, #tpu.memory_space<hbm>>) target(%arg22 : memref<400xf32, #tpu.memory_space<vmem>>) offsets(%arg16 : memref<400xi32, #tpu.memory_space<vmem>>) semaphore(%arg30 : memref<!tpu.dma_semaphore, #tpu.memory_space<semaphore_mem>>)
      %dma_start3A_121 = arith.constant 0 : i32
      %dma_start3A_122 = arith.constant 0 : i32
      %dma_start3A_123 = tpu.memref_slice %arg8[%dma_start3A_121, %dma_start3A_122] : memref<10000x128xf32, #tpu.memory_space<hbm>> -> memref<10000x128xf32, #tpu.memory_space<hbm>>
      tpu.enqueue_indirect_dma source(%dma_start3A_123 : memref<10000x128xf32, #tpu.memory_space<hbm>>) target(%arg25 : memref<400x128xf32, #tpu.memory_space<vmem>>) offsets(%arg16 : memref<400xi32, #tpu.memory_space<vmem>>) semaphore(%arg30 : memref<!tpu.dma_semaphore, #tpu.memory_space<semaphore_mem>>)
      %dma_wait3A_124 = arith.constant 0 : i32
      %dma_wait3A_125 = tpu.memref_slice %arg5[%dma_wait3A_124] : memref<10000xf32, #tpu.memory_space<hbm>> -> memref<10000xf32, #tpu.memory_space<hbm>>
      tpu.wait_indirect_dma semaphore(%arg30 : memref<!tpu.dma_semaphore, #tpu.memory_space<semaphore_mem>>) src(%dma_wait3A_125 : memref<10000xf32, #tpu.memory_space<hbm>>) dst(%arg20 : memref<400xf32, #tpu.memory_space<vmem>>)
      %dma_wait3A_126 = arith.constant 0 : i32
      %dma_wait3A_127 = tpu.memref_slice %arg6[%dma_wait3A_126] : memref<10000xf32, #tpu.memory_space<hbm>> -> memref<10000xf32, #tpu.memory_space<hbm>>
      tpu.wait_indirect_dma semaphore(%arg30 : memref<!tpu.dma_semaphore, #tpu.memory_space<semaphore_mem>>) src(%dma_wait3A_127 : memref<10000xf32, #tpu.memory_space<hbm>>) dst(%arg21 : memref<400xf32, #tpu.memory_space<vmem>>)
      %dma_wait3A_128 = arith.constant 0 : i32
      %dma_wait3A_129 = tpu.memref_slice %arg7[%dma_wait3A_128] : memref<10000xf32, #tpu.memory_space<hbm>> -> memref<10000xf32, #tpu.memory_space<hbm>>
      tpu.wait_indirect_dma semaphore(%arg30 : memref<!tpu.dma_semaphore, #tpu.memory_space<semaphore_mem>>) src(%dma_wait3A_129 : memref<10000xf32, #tpu.memory_space<hbm>>) dst(%arg22 : memref<400xf32, #tpu.memory_space<vmem>>)
      %dma_wait3A_130 = arith.constant 0 : i32
      %dma_wait3A_131 = arith.constant 0 : i32
      %dma_wait3A_132 = tpu.memref_slice %arg8[%dma_wait3A_130, %dma_wait3A_131] : memref<10000x128xf32, #tpu.memory_space<hbm>> -> memref<10000x128xf32, #tpu.memory_space<hbm>>
      tpu.wait_indirect_dma semaphore(%arg30 : memref<!tpu.dma_semaphore, #tpu.memory_space<semaphore_mem>>) src(%dma_wait3A_132 : memref<10000x128xf32, #tpu.memory_space<hbm>>) dst(%arg25 : memref<400x128xf32, #tpu.memory_space<vmem>>)
      %scan3A_133 = arith.constant 0 : i32
      %scan3A_134 = arith.constant 25 : i32
      %scan3A_135 = arith.addi %scan3A_133, %scan3A_134 : i32
      %scan3A_136 = arith.constant 1 : i32
      scf.for %scan3A_144 = %scan3A_133 to %scan3A_135 step %scan3A_136  : i32 {
        %mul3A_145 = arith.constant 16 : i32
        %mul3A_146 = arith.muli %scan3A_144, %mul3A_145 : i32
        %get3A = arith.index_cast %mul3A_146 : i32 to index
        %get3A_147 = tpu.vector_load %arg15[%get3A] {strides = array<i32>} : memref<400xi32, #tpu.memory_space<vmem>>, vector<16xi32>,
        %get3A_148 = vector.shape_cast %get3A_147 : vector<16xi32> to vector<16xi32>
        %sub3A = vector.broadcast %mul3A_0 : i32 to vector<16xi32>
        %sub3A_149 = arith.subi %get3A_148, %sub3A : vector<16xi32>
        %ge3A = arith.constant 0 : i32
        %ge3A_150 = vector.broadcast %ge3A : i32 to vector<16xi32>
        %ge3A_151 = arith.cmpi sge, %sub3A_149, %ge3A_150 : vector<16xi32>
        %lt3A = arith.constant 5120 : i32
        %lt3A_152 = vector.broadcast %lt3A : i32 to vector<16xi32>
        %lt3A_153 = arith.cmpi slt, %sub3A_149, %lt3A_152 : vector<16xi32>
        %and3A = arith.andi %ge3A_151, %lt3A_153 : vector<16xi1>
        %jit3A = arith.constant 5120 : i32
        %broadcast_in_dim3A_154 = vector.broadcast %jit3A : i32 to vector<16xi32>
        %select_n3A = arith.select %and3A, %sub3A_149, %broadcast_in_dim3A_154 : vector<16xi1>, vector<16xi32>
        %swap3A_155 = arith.index_cast %mul3A_146 : i32 to index
        %swap3A_156 = tpu.vector_load %arg17[%swap3A_155] {strides = array<i32>} : memref<400xi32, #tpu.memory_space<vmem>>, vector<16xi32>,
        %swap3A_157 = vector.shape_cast %swap3A_156 : vector<16xi32> to vector<16xi32>
        %swap3A_158 = vector.shape_cast %select_n3A : vector<16xi32> to vector<16xi32>
        tpu.vector_store %arg17[%swap3A_155], %swap3A_158 {strides = array<i32>} : memref<400xi32, #tpu.memory_space<vmem>>, vector<16xi32>,
        %swap3A_159 = arith.index_cast %mul3A_146 : i32 to index
        %swap3A_160 = tpu.vector_load %arg18[%swap3A_159] {strides = array<i32>} : memref<416xi32, #tpu.memory_space<vmem>>, vector<16xi32>,
        %swap3A_161 = vector.shape_cast %swap3A_160 : vector<16xi32> to vector<16xi32>
        %swap3A_162 = vector.shape_cast %select_n3A : vector<16xi32> to vector<16xi32>
        tpu.vector_store %arg18[%swap3A_159], %swap3A_162 {strides = array<i32>} : memref<416xi32, #tpu.memory_space<vmem>>, vector<16xi32>,
        %get3A_163 = arith.index_cast %mul3A_146 : i32 to index
        %get3A_164 = tpu.vector_load %arg20[%get3A_163] {strides = array<i32>} : memref<400xf32, #tpu.memory_space<vmem>>, vector<16xf32>,
        %get3A_165 = vector.shape_cast %get3A_164 : vector<16xf32> to vector<16xf32>
        %get3A_166 = arith.index_cast %mul3A_146 : i32 to index
        %get3A_167 = tpu.vector_load %arg21[%get3A_166] {strides = array<i32>} : memref<400xf32, #tpu.memory_space<vmem>>, vector<16xf32>,
        %get3A_168 = vector.shape_cast %get3A_167 : vector<16xf32> to vector<16xf32>
        %add3A_169 = arith.addf %get3A_165, %get3A_168 : vector<16xf32>
        %neg3A = arith.constant 0.000000e+00 : f32
        %neg3A_170 = vector.broadcast %neg3A : f32 to vector<16xf32>
        %neg3A_171 = arith.subf %neg3A_170, %add3A_169 : vector<16xf32>
        %exp3A = math.exp %neg3A_171 : vector<16xf32>
        %add3A_172 = arith.constant 1.000000e+00 : f32
        %add3A_173 = vector.broadcast %add3A_172 : f32 to vector<16xf32>
        %add3A_174 = arith.addf %add3A_173, %exp3A : vector<16xf32>
        %div3A = arith.constant 1.000000e+00 : f32
        %div3A_175 = vector.broadcast %div3A : f32 to vector<16xf32>
        %div3A_176 = arith.divf %div3A_175, %add3A_174 : vector<16xf32>
        %get3A_177 = arith.index_cast %mul3A_146 : i32 to index
        %get3A_178 = tpu.vector_load %arg22[%get3A_177] {strides = array<i32>} : memref<400xf32, #tpu.memory_space<vmem>>, vector<16xf32>,
        %get3A_179 = vector.shape_cast %get3A_178 : vector<16xf32> to vector<16xf32>
        %mul3A_180 = arith.constant 2.000000e+00 : f32
        %mul3A_181 = vector.broadcast %mul3A_180 : f32 to vector<16xf32>
        %mul3A_182 = arith.mulf %mul3A_181, %get3A_179 : vector<16xf32>
        %exp3A_183 = math.exp %mul3A_182 : vector<16xf32>
        %add3A_184 = arith.constant 1.000000e+00 : f32
        %add3A_185 = vector.broadcast %add3A_184 : f32 to vector<16xf32>
        %add3A_186 = arith.addf %exp3A_183, %add3A_185 : vector<16xf32>
        %div3A_187 = arith.constant 2.000000e+00 : f32
        %div3A_188 = vector.broadcast %div3A_187 : f32 to vector<16xf32>
        %div3A_189 = arith.divf %div3A_188, %add3A_186 : vector<16xf32>
        %sub3A_190 = arith.constant 1.000000e+00 : f32
        %sub3A_191 = vector.broadcast %sub3A_190 : f32 to vector<16xf32>
        %sub3A_192 = arith.subf %sub3A_191, %div3A_189 : vector<16xf32>
        %swap3A_193 = arith.index_cast %mul3A_146 : i32 to index
        %swap3A_194 = tpu.vector_load %arg23[%swap3A_193] {strides = array<i32>} : memref<416xf32, #tpu.memory_space<vmem>>, vector<16xf32>,
        %swap3A_195 = vector.shape_cast %swap3A_194 : vector<16xf32> to vector<16xf32>
        %swap3A_196 = vector.shape_cast %div3A_176 : vector<16xf32> to vector<16xf32>
        tpu.vector_store %arg23[%swap3A_193], %swap3A_196 {strides = array<i32>} : memref<416xf32, #tpu.memory_space<vmem>>, vector<16xf32>,
        %get3A_197 = arith.index_cast %mul3A_146 : i32 to index
        %get3A_198 = tpu.vector_load %arg19[%get3A_197] {strides = array<i32>} : memref<400xf32, #tpu.memory_space<vmem>>, vector<16xf32>,
        %get3A_199 = vector.shape_cast %get3A_198 : vector<16xf32> to vector<16xf32>
        %mul3A_200 = arith.mulf %get3A_199, %div3A_176 : vector<16xf32>
        %mul3A_201 = arith.mulf %mul3A_200, %sub3A_192 : vector<16xf32>
        %swap3A_202 = arith.index_cast %mul3A_146 : i32 to index
        %swap3A_203 = tpu.vector_load %arg24[%swap3A_202] {strides = array<i32>} : memref<416xf32, #tpu.memory_space<vmem>>, vector<16xf32>,
        %swap3A_204 = vector.shape_cast %swap3A_203 : vector<16xf32> to vector<16xf32>
        %swap3A_205 = vector.shape_cast %mul3A_201 : vector<16xf32> to vector<16xf32>
        tpu.vector_store %arg24[%swap3A_202], %swap3A_205 {strides = array<i32>} : memref<416xf32, #tpu.memory_space<vmem>>, vector<16xf32>,
      }
      %scan3A_137 = arith.constant 25 : i32
      %scan3A_138 = arith.constant 5120 : i32
      %scan3A_139 = arith.constant 0 : i32
      %scan3A_140 = arith.constant 400 : i32
      %scan3A_141 = arith.addi %scan3A_139, %scan3A_140 : i32
      %scan3A_142 = arith.constant 1 : i32
      scf.for %scan3A_144 = %scan3A_139 to %scan3A_141 step %scan3A_142  : i32 {
        %get3A = arith.index_cast %scan3A_144 : i32 to index
        %get3A_145 = tpu.vector_load %arg18[%get3A] {strides = array<i32>} : memref<416xi32, #tpu.memory_space<vmem>>, vector<16xi32>,
        %get3A_146 = vector.shape_cast %get3A_145 : vector<16xi32> to vector<16xi32>
        %slice3A = vector.extract_strided_slice %get3A_146 {offsets = [0], sizes = [1], strides = [1]} : vector<16xi32> to vector<1xi32>
        %squeeze3A = vector.extract %slice3A[0] : i32 from vector<1xi32>
        %ne3A = arith.cmpi ne, %squeeze3A, %scan3A_138 : i32
        %convert_element_type3A_147 = arith.extui %ne3A : i1 to i32
        %cond3A_148 = arith.constant 0 : i32
        %cond3A_149 = arith.cmpi ne, %convert_element_type3A_147, %cond3A_148 : i32
        scf.if %cond3A_149 {
          %get3A_150 = arith.index_cast %scan3A_144 : i32 to index
          %get3A_151 = tpu.vector_load %arg24[%get3A_150] {strides = array<i32>} : memref<416xf32, #tpu.memory_space<vmem>>, vector<16xf32>,
          %get3A_152 = vector.shape_cast %get3A_151 : vector<16xf32> to vector<16xf32>
          %slice3A_153 = vector.extract_strided_slice %get3A_152 {offsets = [0], sizes = [1], strides = [1]} : vector<16xf32> to vector<1xf32>
          %squeeze3A_154 = vector.extract %slice3A_153[0] : f32 from vector<1xf32>
          %get3A_155 = arith.index_cast %scan3A_144 : i32 to index
          %get3A_156 = arith.constant 0 : index
          %get3A_157 = tpu.vector_load %arg25[%get3A_155, %get3A_156] {strides = array<i32>} : memref<400x128xf32, #tpu.memory_space<vmem>>, vector<1x16xf32>,
          %get3A_158 = vector.shape_cast %get3A_157 : vector<1x16xf32> to vector<16xf32>
          %mul3A_159 = vector.broadcast %squeeze3A_154 : f32 to vector<16xf32>
          %mul3A_160 = arith.mulf %get3A_158, %mul3A_159 : vector<16xf32>
          %swap3A_161 = arith.index_cast %scan3A_144 : i32 to index
          %swap3A_162 = arith.constant 0 : index
          %swap3A_163 = tpu.vector_load %arg25[%swap3A_161, %swap3A_162] {strides = array<i32>} : memref<400x128xf32, #tpu.memory_space<vmem>>, vector<1x16xf32>,
          %swap3A_164 = vector.shape_cast %swap3A_163 : vector<1x16xf32> to vector<16xf32>
          %swap3A_165 = vector.shape_cast %mul3A_160 : vector<16xf32> to vector<1x16xf32>
          tpu.vector_store %arg25[%swap3A_161, %swap3A_162], %swap3A_165 {strides = array<i32>} : memref<400x128xf32, #tpu.memory_space<vmem>>, vector<1x16xf32>,
          %get3A_166 = arith.index_cast %scan3A_144 : i32 to index
          %get3A_167 = arith.constant 16 : index
          %get3A_168 = tpu.vector_load %arg25[%get3A_166, %get3A_167] {strides = array<i32>} : memref<400x128xf32, #tpu.memory_space<vmem>>, vector<1x16xf32>,
          %get3A_169 = vector.shape_cast %get3A_168 : vector<1x16xf32> to vector<16xf32>
          %mul3A_170 = vector.broadcast %squeeze3A_154 : f32 to vector<16xf32>
          %mul3A_171 = arith.mulf %get3A_169, %mul3A_170 : vector<16xf32>
          %swap3A_172 = arith.index_cast %scan3A_144 : i32 to index
          %swap3A_173 = arith.constant 16 : index
          %swap3A_174 = tpu.vector_load %arg25[%swap3A_172, %swap3A_173] {strides = array<i32>} : memref<400x128xf32, #tpu.memory_space<vmem>>, vector<1x16xf32>,
          %swap3A_175 = vector.shape_cast %swap3A_174 : vector<1x16xf32> to vector<16xf32>
          %swap3A_176 = vector.shape_cast %mul3A_171 : vector<16xf32> to vector<1x16xf32>
          tpu.vector_store %arg25[%swap3A_172, %swap3A_173], %swap3A_176 {strides = array<i32>} : memref<400x128xf32, #tpu.memory_space<vmem>>, vector<1x16xf32>,
          %get3A_177 = arith.index_cast %scan3A_144 : i32 to index
          %get3A_178 = arith.constant 32 : index
          %get3A_179 = tpu.vector_load %arg25[%get3A_177, %get3A_178] {strides = array<i32>} : memref<400x128xf32, #tpu.memory_space<vmem>>, vector<1x16xf32>,
          %get3A_180 = vector.shape_cast %get3A_179 : vector<1x16xf32> to vector<16xf32>
          %mul3A_181 = vector.broadcast %squeeze3A_154 : f32 to vector<16xf32>
          %mul3A_182 = arith.mulf %get3A_180, %mul3A_181 : vector<16xf32>
          %swap3A_183 = arith.index_cast %scan3A_144 : i32 to index
          %swap3A_184 = arith.constant 32 : index
          %swap3A_185 = tpu.vector_load %arg25[%swap3A_183, %swap3A_184] {strides = array<i32>} : memref<400x128xf32, #tpu.memory_space<vmem>>, vector<1x16xf32>,
          %swap3A_186 = vector.shape_cast %swap3A_185 : vector<1x16xf32> to vector<16xf32>
          %swap3A_187 = vector.shape_cast %mul3A_182 : vector<16xf32> to vector<1x16xf32>
          tpu.vector_store %arg25[%swap3A_183, %swap3A_184], %swap3A_187 {strides = array<i32>} : memref<400x128xf32, #tpu.memory_space<vmem>>, vector<1x16xf32>,
          %get3A_188 = arith.index_cast %scan3A_144 : i32 to index
          %get3A_189 = arith.constant 48 : index
          %get3A_190 = tpu.vector_load %arg25[%get3A_188, %get3A_189] {strides = array<i32>} : memref<400x128xf32, #tpu.memory_space<vmem>>, vector<1x16xf32>,
          %get3A_191 = vector.shape_cast %get3A_190 : vector<1x16xf32> to vector<16xf32>
          %mul3A_192 = vector.broadcast %squeeze3A_154 : f32 to vector<16xf32>
          %mul3A_193 = arith.mulf %get3A_191, %mul3A_192 : vector<16xf32>
          %swap3A_194 = arith.index_cast %scan3A_144 : i32 to index
          %swap3A_195 = arith.constant 48 : index
          %swap3A_196 = tpu.vector_load %arg25[%swap3A_194, %swap3A_195] {strides = array<i32>} : memref<400x128xf32, #tpu.memory_space<vmem>>, vector<1x16xf32>,
          %swap3A_197 = vector.shape_cast %swap3A_196 : vector<1x16xf32> to vector<16xf32>
          %swap3A_198 = vector.shape_cast %mul3A_193 : vector<16xf32> to vector<1x16xf32>
          tpu.vector_store %arg25[%swap3A_194, %swap3A_195], %swap3A_198 {strides = array<i32>} : memref<400x128xf32, #tpu.memory_space<vmem>>, vector<1x16xf32>,
          %get3A_199 = arith.index_cast %scan3A_144 : i32 to index
          %get3A_200 = arith.constant 64 : index
          %get3A_201 = tpu.vector_load %arg25[%get3A_199, %get3A_200] {strides = array<i32>} : memref<400x128xf32, #tpu.memory_space<vmem>>, vector<1x16xf32>,
          %get3A_202 = vector.shape_cast %get3A_201 : vector<1x16xf32> to vector<16xf32>
          %mul3A_203 = vector.broadcast %squeeze3A_154 : f32 to vector<16xf32>
          %mul3A_204 = arith.mulf %get3A_202, %mul3A_203 : vector<16xf32>
          %swap3A_205 = arith.index_cast %scan3A_144 : i32 to index
          %swap3A_206 = arith.constant 64 : index
          %swap3A_207 = tpu.vector_load %arg25[%swap3A_205, %swap3A_206] {strides = array<i32>} : memref<400x128xf32, #tpu.memory_space<vmem>>, vector<1x16xf32>,
          %swap3A_208 = vector.shape_cast %swap3A_207 : vector<1x16xf32> to vector<16xf32>
          %swap3A_209 = vector.shape_cast %mul3A_204 : vector<16xf32> to vector<1x16xf32>
          tpu.vector_store %arg25[%swap3A_205, %swap3A_206], %swap3A_209 {strides = array<i32>} : memref<400x128xf32, #tpu.memory_space<vmem>>, vector<1x16xf32>,
          %get3A_210 = arith.index_cast %scan3A_144 : i32 to index
          %get3A_211 = arith.constant 80 : index
          %get3A_212 = tpu.vector_load %arg25[%get3A_210, %get3A_211] {strides = array<i32>} : memref<400x128xf32, #tpu.memory_space<vmem>>, vector<1x16xf32>,
          %get3A_213 = vector.shape_cast %get3A_212 : vector<1x16xf32> to vector<16xf32>
          %mul3A_214 = vector.broadcast %squeeze3A_154 : f32 to vector<16xf32>
          %mul3A_215 = arith.mulf %get3A_213, %mul3A_214 : vector<16xf32>
          %swap3A_216 = arith.index_cast %scan3A_144 : i32 to index
          %swap3A_217 = arith.constant 80 : index
          %swap3A_218 = tpu.vector_load %arg25[%swap3A_216, %swap3A_217] {strides = array<i32>} : memref<400x128xf32, #tpu.memory_space<vmem>>, vector<1x16xf32>,
          %swap3A_219 = vector.shape_cast %swap3A_218 : vector<1x16xf32> to vector<16xf32>
          %swap3A_220 = vector.shape_cast %mul3A_215 : vector<16xf32> to vector<1x16xf32>
          tpu.vector_store %arg25[%swap3A_216, %swap3A_217], %swap3A_220 {strides = array<i32>} : memref<400x128xf32, #tpu.memory_space<vmem>>, vector<1x16xf32>,
          %get3A_221 = arith.index_cast %scan3A_144 : i32 to index
          %get3A_222 = arith.constant 96 : index
          %get3A_223 = tpu.vector_load %arg25[%get3A_221, %get3A_222] {strides = array<i32>} : memref<400x128xf32, #tpu.memory_space<vmem>>, vector<1x16xf32>,
          %get3A_224 = vector.shape_cast %get3A_223 : vector<1x16xf32> to vector<16xf32>
          %mul3A_225 = vector.broadcast %squeeze3A_154 : f32 to vector<16xf32>
          %mul3A_226 = arith.mulf %get3A_224, %mul3A_225 : vector<16xf32>
          %swap3A_227 = arith.index_cast %scan3A_144 : i32 to index
          %swap3A_228 = arith.constant 96 : index
          %swap3A_229 = tpu.vector_load %arg25[%swap3A_227, %swap3A_228] {strides = array<i32>} : memref<400x128xf32, #tpu.memory_space<vmem>>, vector<1x16xf32>,
          %swap3A_230 = vector.shape_cast %swap3A_229 : vector<1x16xf32> to vector<16xf32>
          %swap3A_231 = vector.shape_cast %mul3A_226 : vector<16xf32> to vector<1x16xf32>
          tpu.vector_store %arg25[%swap3A_227, %swap3A_228], %swap3A_231 {strides = array<i32>} : memref<400x128xf32, #tpu.memory_space<vmem>>, vector<1x16xf32>,
          %get3A_232 = arith.index_cast %scan3A_144 : i32 to index
          %get3A_233 = arith.constant 112 : index
          %get3A_234 = tpu.vector_load %arg25[%get3A_232, %get3A_233] {strides = array<i32>} : memref<400x128xf32, #tpu.memory_space<vmem>>, vector<1x16xf32>,
          %get3A_235 = vector.shape_cast %get3A_234 : vector<1x16xf32> to vector<16xf32>
          %mul3A_236 = vector.broadcast %squeeze3A_154 : f32 to vector<16xf32>
          %mul3A_237 = arith.mulf %get3A_235, %mul3A_236 : vector<16xf32>
          %swap3A_238 = arith.index_cast %scan3A_144 : i32 to index
          %swap3A_239 = arith.constant 112 : index
          %swap3A_240 = tpu.vector_load %arg25[%swap3A_238, %swap3A_239] {strides = array<i32>} : memref<400x128xf32, #tpu.memory_space<vmem>>, vector<1x16xf32>,
          %swap3A_241 = vector.shape_cast %swap3A_240 : vector<1x16xf32> to vector<16xf32>
          %swap3A_242 = vector.shape_cast %mul3A_237 : vector<16xf32> to vector<1x16xf32>
          tpu.vector_store %arg25[%swap3A_238, %swap3A_239], %swap3A_242 {strides = array<i32>} : memref<400x128xf32, #tpu.memory_space<vmem>>, vector<1x16xf32>,
        } else {
        }
      }
      %scan3A_143 = arith.constant 400 : i32
      "tpu.region"() ({
        %run_scoped3A = tpu.sem_alloc : memref<!tpu.dma_semaphore, #tpu.memory_space<semaphore_mem>>
        %dma_start3A_144 = arith.constant 0 : i32
        %dma_start3A_145 = arith.constant 0 : i32
        %dma_start3A_146 = tpu.memref_slice %arg27[%dma_start3A_144, %dma_start3A_145] : memref<5248x128xf32, #tpu.memory_space<vmem_shared>> -> memref<5248x128xf32, #tpu.memory_space<vmem_shared>>
        tpu.enqueue_indirect_dma source(%arg25 : memref<400x128xf32, #tpu.memory_space<vmem>>) target(%dma_start3A_146 : memref<5248x128xf32, #tpu.memory_space<vmem_shared>>) offsets(%arg17 : memref<400xi32, #tpu.memory_space<vmem>>) semaphore(%run_scoped3A : memref<!tpu.dma_semaphore, #tpu.memory_space<semaphore_mem>>) {add = true}
        %dma_wait3A_147 = arith.constant 0 : i32
        %dma_wait3A_148 = arith.constant 0 : i32
        %dma_wait3A_149 = tpu.memref_slice %arg27[%dma_wait3A_147, %dma_wait3A_148] : memref<5248x128xf32, #tpu.memory_space<vmem_shared>> -> memref<5248x128xf32, #tpu.memory_space<vmem_shared>>
        tpu.wait_indirect_dma semaphore(%run_scoped3A : memref<!tpu.dma_semaphore, #tpu.memory_space<semaphore_mem>>) src(%arg25 : memref<400x128xf32, #tpu.memory_space<vmem>>) dst(%dma_wait3A_149 : memref<5248x128xf32, #tpu.memory_space<vmem_shared>>)
        tpu.yield
      }) : () -> ()
      "tpu.region"() ({
        %run_scoped3A = tpu.sem_alloc : memref<!tpu.dma_semaphore, #tpu.memory_space<semaphore_mem>>
        %dma_start3A_144 = arith.constant 0 : i32
        %dma_start3A_145 = tpu.memref_slice %arg23[%dma_start3A_144] : memref<416xf32, #tpu.memory_space<vmem>> -> memref<400xf32, #tpu.memory_space<vmem>>
        %dma_start3A_146 = arith.constant 0 : i32
        %dma_start3A_147 = tpu.memref_slice %arg29[%dma_start3A_146] : memref<5248xf32, #tpu.memory_space<vmem_shared>> -> memref<5248xf32, #tpu.memory_space<vmem_shared>>
        tpu.enqueue_indirect_dma source(%dma_start3A_145 : memref<400xf32, #tpu.memory_space<vmem>>) target(%dma_start3A_147 : memref<5248xf32, #tpu.memory_space<vmem_shared>>) offsets(%arg17 : memref<400xi32, #tpu.memory_space<vmem>>) semaphore(%run_scoped3A : memref<!tpu.dma_semaphore, #tpu.memory_space<semaphore_mem>>) {add = true}
        %dma_wait3A_148 = arith.constant 0 : i32
        %dma_wait3A_149 = tpu.memref_slice %arg23[%dma_wait3A_148] : memref<416xf32, #tpu.memory_space<vmem>> -> memref<400xf32, #tpu.memory_space<vmem>>
        %dma_wait3A_150 = arith.constant 0 : i32
        %dma_wait3A_151 = tpu.memref_slice %arg29[%dma_wait3A_150] : memref<5248xf32, #tpu.memory_space<vmem_shared>> -> memref<5248xf32, #tpu.memory_space<vmem_shared>>
        tpu.wait_indirect_dma semaphore(%run_scoped3A : memref<!tpu.dma_semaphore, #tpu.memory_space<semaphore_mem>>) src(%dma_wait3A_149 : memref<400xf32, #tpu.memory_space<vmem>>) dst(%dma_wait3A_151 : memref<5248xf32, #tpu.memory_space<vmem_shared>>)
        tpu.yield
      }) : () -> ()
      "tpu.region"() ({
        %run_scoped3A = tpu.sem_alloc : memref<!tpu.dma_semaphore, #tpu.memory_space<semaphore_mem>>
        %dma_start3A_144 = arith.constant 0 : i32
        %dma_start3A_145 = tpu.memref_slice %arg28[%dma_start3A_144] : memref<5248xf32, #tpu.memory_space<vmem_shared>> -> memref<5248xf32, #tpu.memory_space<vmem_shared>>
        tpu.enqueue_indirect_dma source(%arg19 : memref<400xf32, #tpu.memory_space<vmem>>) target(%dma_start3A_145 : memref<5248xf32, #tpu.memory_space<vmem_shared>>) offsets(%arg17 : memref<400xi32, #tpu.memory_space<vmem>>) semaphore(%run_scoped3A : memref<!tpu.dma_semaphore, #tpu.memory_space<semaphore_mem>>) {add = true}
        %dma_wait3A_146 = arith.constant 0 : i32
        %dma_wait3A_147 = tpu.memref_slice %arg28[%dma_wait3A_146] : memref<5248xf32, #tpu.memory_space<vmem_shared>> -> memref<5248xf32, #tpu.memory_space<vmem_shared>>
        tpu.wait_indirect_dma semaphore(%run_scoped3A : memref<!tpu.dma_semaphore, #tpu.memory_space<semaphore_mem>>) src(%arg19 : memref<400xf32, #tpu.memory_space<vmem>>) dst(%dma_wait3A_147 : memref<5248xf32, #tpu.memory_space<vmem_shared>>)
        tpu.yield
      }) : () -> ()
    }
    %scan3A_91 = arith.constant 25 : i32
    %barrier3A_92 = arith.constant 0 : index
    tpu.barrier barrier_id(%barrier3A_92)
    %eq3A = arith.constant 0 : i32
    %eq3A_93 = arith.cmpi eq, %arg0, %eq3A : i32
    %convert_element_type3A = arith.extui %eq3A_93 : i1 to i32
    %cond3A = arith.constant 0 : i32
    %cond3A_94 = arith.cmpi ne, %convert_element_type3A, %cond3A : i32
    scf.if %cond3A_94 {
      "tpu.region"() ({
        %run_scoped3A = tpu.sem_alloc : memref<!tpu.dma_semaphore, #tpu.memory_space<semaphore_mem>>
        %dma_start3A = arith.constant 0 : i32
        %dma_start3A_100 = tpu.memref_slice %arg9[%mul3A_7, %dma_start3A] : memref<5248x128xf32, #tpu.memory_space<hbm>> -> memref<328x128xf32, #tpu.memory_space<hbm>>
        %dma_start3A_101 = arith.constant 0 : i32
        %dma_start3A_102 = tpu.memref_slice %arg27[%mul3A_7, %dma_start3A_101] : memref<5248x128xf32, #tpu.memory_space<vmem_shared>> -> memref<328x128xf32, #tpu.memory_space<vmem_shared>>
        tpu.enqueue_dma source(%dma_start3A_102 : memref<328x128xf32, #tpu.memory_space<vmem_shared>>) target(%dma_start3A_100 : memref<328x128xf32, #tpu.memory_space<hbm>>) target_semaphore(%run_scoped3A : memref<!tpu.dma_semaphore, #tpu.memory_space<semaphore_mem>>)
        %dma_wait3A = arith.constant 0 : i32
        %dma_wait3A_103 = tpu.memref_slice %arg9[%mul3A_7, %dma_wait3A] : memref<5248x128xf32, #tpu.memory_space<hbm>> -> memref<328x128xf32, #tpu.memory_space<hbm>>
        %dma_wait3A_104 = arith.constant 0 : i32
        %dma_wait3A_105 = tpu.memref_slice %arg27[%mul3A_7, %dma_wait3A_104] : memref<5248x128xf32, #tpu.memory_space<vmem_shared>> -> memref<328x128xf32, #tpu.memory_space<vmem_shared>>
        tpu.wait_dma2 semaphore(%run_scoped3A : memref<!tpu.dma_semaphore, #tpu.memory_space<semaphore_mem>>) src(%dma_wait3A_105 : memref<328x128xf32, #tpu.memory_space<vmem_shared>>) dst(%dma_wait3A_103 : memref<328x128xf32, #tpu.memory_space<hbm>>)
        tpu.yield
      }) : () -> ()
      "tpu.region"() ({
        %run_scoped3A = tpu.sem_alloc : memref<!tpu.dma_semaphore, #tpu.memory_space<semaphore_mem>>
        %dma_start3A = tpu.memref_slice %arg28[%mul3A_7] : memref<5248xf32, #tpu.memory_space<vmem_shared>> -> memref<328xf32, #tpu.memory_space<vmem_shared>>
        %dma_start3A_100 = tpu.memref_slice %arg28[%mul3A_7] : memref<5248xf32, #tpu.memory_space<vmem_shared>> -> memref<328xf32, #tpu.memory_space<vmem_shared>>
        tpu.enqueue_dma source(%dma_start3A_100 : memref<328xf32, #tpu.memory_space<vmem_shared>>) target(%arg26 : memref<328xf32, #tpu.memory_space<vmem>>) target_semaphore(%run_scoped3A : memref<!tpu.dma_semaphore, #tpu.memory_space<semaphore_mem>>)
        %dma_wait3A = tpu.memref_slice %arg28[%mul3A_7] : memref<5248xf32, #tpu.memory_space<vmem_shared>> -> memref<328xf32, #tpu.memory_space<vmem_shared>>
        %dma_wait3A_101 = tpu.memref_slice %arg28[%mul3A_7] : memref<5248xf32, #tpu.memory_space<vmem_shared>> -> memref<328xf32, #tpu.memory_space<vmem_shared>>
        tpu.wait_dma2 semaphore(%run_scoped3A : memref<!tpu.dma_semaphore, #tpu.memory_space<semaphore_mem>>) src(%dma_wait3A_101 : memref<328xf32, #tpu.memory_space<vmem_shared>>) dst(%arg26 : memref<328xf32, #tpu.memory_space<vmem>>)
        tpu.yield
      }) : () -> ()
      "tpu.region"() ({
        %run_scoped3A = tpu.sem_alloc : memref<!tpu.dma_semaphore, #tpu.memory_space<semaphore_mem>>
        %dma_start3A = tpu.memref_slice %arg11[%mul3A_7] : memref<5248xf32, #tpu.memory_space<hbm>> -> memref<328xf32, #tpu.memory_space<hbm>>
        %dma_start3A_100 = tpu.memref_slice %arg11[%mul3A_7] : memref<5248xf32, #tpu.memory_space<hbm>> -> memref<328xf32, #tpu.memory_space<hbm>>
        tpu.enqueue_dma source(%arg26 : memref<328xf32, #tpu.memory_space<vmem>>) target(%dma_start3A_100 : memref<328xf32, #tpu.memory_space<hbm>>) target_semaphore(%run_scoped3A : memref<!tpu.dma_semaphore, #tpu.memory_space<semaphore_mem>>)
        %dma_wait3A = tpu.memref_slice %arg11[%mul3A_7] : memref<5248xf32, #tpu.memory_space<hbm>> -> memref<328xf32, #tpu.memory_space<hbm>>
        %dma_wait3A_101 = tpu.memref_slice %arg11[%mul3A_7] : memref<5248xf32, #tpu.memory_space<hbm>> -> memref<328xf32, #tpu.memory_space<hbm>>
        tpu.wait_dma2 semaphore(%run_scoped3A : memref<!tpu.dma_semaphore, #tpu.memory_space<semaphore_mem>>) src(%arg26 : memref<328xf32, #tpu.memory_space<vmem>>) dst(%dma_wait3A_101 : memref<328xf32, #tpu.memory_space<hbm>>)
        tpu.yield
      }) : () -> ()
      "tpu.region"() ({
        %run_scoped3A = tpu.sem_alloc : memref<!tpu.dma_semaphore, #tpu.memory_space<semaphore_mem>>
        %dma_start3A = tpu.memref_slice %arg29[%mul3A_7] : memref<5248xf32, #tpu.memory_space<vmem_shared>> -> memref<328xf32, #tpu.memory_space<vmem_shared>>
        %dma_start3A_100 = tpu.memref_slice %arg29[%mul3A_7] : memref<5248xf32, #tpu.memory_space<vmem_shared>> -> memref<328xf32, #tpu.memory_space<vmem_shared>>
        tpu.enqueue_dma source(%dma_start3A_100 : memref<328xf32, #tpu.memory_space<vmem_shared>>) target(%arg26 : memref<328xf32, #tpu.memory_space<vmem>>) target_semaphore(%run_scoped3A : memref<!tpu.dma_semaphore, #tpu.memory_space<semaphore_mem>>)
        %dma_wait3A = tpu.memref_slice %arg29[%mul3A_7] : memref<5248xf32, #tpu.memory_space<vmem_shared>> -> memref<328xf32, #tpu.memory_space<vmem_shared>>
        %dma_wait3A_101 = tpu.memref_slice %arg29[%mul3A_7] : memref<5248xf32, #tpu.memory_space<vmem_shared>> -> memref<328xf32, #tpu.memory_space<vmem_shared>>
        tpu.wait_dma2 semaphore(%run_scoped3A : memref<!tpu.dma_semaphore, #tpu.memory_space<semaphore_mem>>) src(%dma_wait3A_101 : memref<328xf32, #tpu.memory_space<vmem_shared>>) dst(%arg26 : memref<328xf32, #tpu.memory_space<vmem>>)
        tpu.yield
      }) : () -> ()
      "tpu.region"() ({
        %run_scoped3A = tpu.sem_alloc : memref<!tpu.dma_semaphore, #tpu.memory_space<semaphore_mem>>
        %dma_start3A = tpu.memref_slice %arg13[%mul3A_7] : memref<5248xf32, #tpu.memory_space<hbm>> -> memref<328xf32, #tpu.memory_space<hbm>>
        %dma_start3A_100 = tpu.memref_slice %arg13[%mul3A_7] : memref<5248xf32, #tpu.memory_space<hbm>> -> memref<328xf32, #tpu.memory_space<hbm>>
        tpu.enqueue_dma source(%arg26 : memref<328xf32, #tpu.memory_space<vmem>>) target(%dma_start3A_100 : memref<328xf32, #tpu.memory_space<hbm>>) target_semaphore(%run_scoped3A : memref<!tpu.dma_semaphore, #tpu.memory_space<semaphore_mem>>)
        %dma_wait3A = tpu.memref_slice %arg13[%mul3A_7] : memref<5248xf32, #tpu.memory_space<hbm>> -> memref<328xf32, #tpu.memory_space<hbm>>
        %dma_wait3A_101 = tpu.memref_slice %arg13[%mul3A_7] : memref<5248xf32, #tpu.memory_space<hbm>> -> memref<328xf32, #tpu.memory_space<hbm>>
        tpu.wait_dma2 semaphore(%run_scoped3A : memref<!tpu.dma_semaphore, #tpu.memory_space<semaphore_mem>>) src(%arg26 : memref<328xf32, #tpu.memory_space<vmem>>) dst(%dma_wait3A_101 : memref<328xf32, #tpu.memory_space<hbm>>)
        tpu.yield
      }) : () -> ()
    } else {
    }
    %eq3A_95 = arith.constant 1 : i32
    %eq3A_96 = arith.cmpi eq, %arg0, %eq3A_95 : i32
    %convert_element_type3A_97 = arith.extui %eq3A_96 : i1 to i32
    %cond3A_98 = arith.constant 0 : i32
    %cond3A_99 = arith.cmpi ne, %convert_element_type3A_97, %cond3A_98 : i32
    scf.if %cond3A_99 {
      "tpu.region"() ({
        %run_scoped3A = tpu.sem_alloc : memref<!tpu.dma_semaphore, #tpu.memory_space<semaphore_mem>>
        %dma_start3A = arith.constant 0 : i32
        %dma_start3A_100 = tpu.memref_slice %arg10[%mul3A_7, %dma_start3A] : memref<5248x128xf32, #tpu.memory_space<hbm>> -> memref<328x128xf32, #tpu.memory_space<hbm>>
        %dma_start3A_101 = arith.constant 0 : i32
        %dma_start3A_102 = tpu.memref_slice %arg27[%mul3A_7, %dma_start3A_101] : memref<5248x128xf32, #tpu.memory_space<vmem_shared>> -> memref<328x128xf32, #tpu.memory_space<vmem_shared>>
        tpu.enqueue_dma source(%dma_start3A_102 : memref<328x128xf32, #tpu.memory_space<vmem_shared>>) target(%dma_start3A_100 : memref<328x128xf32, #tpu.memory_space<hbm>>) target_semaphore(%run_scoped3A : memref<!tpu.dma_semaphore, #tpu.memory_space<semaphore_mem>>)
        %dma_wait3A = arith.constant 0 : i32
        %dma_wait3A_103 = tpu.memref_slice %arg10[%mul3A_7, %dma_wait3A] : memref<5248x128xf32, #tpu.memory_space<hbm>> -> memref<328x128xf32, #tpu.memory_space<hbm>>
        %dma_wait3A_104 = arith.constant 0 : i32
        %dma_wait3A_105 = tpu.memref_slice %arg27[%mul3A_7, %dma_wait3A_104] : memref<5248x128xf32, #tpu.memory_space<vmem_shared>> -> memref<328x128xf32, #tpu.memory_space<vmem_shared>>
        tpu.wait_dma2 semaphore(%run_scoped3A : memref<!tpu.dma_semaphore, #tpu.memory_space<semaphore_mem>>) src(%dma_wait3A_105 : memref<328x128xf32, #tpu.memory_space<vmem_shared>>) dst(%dma_wait3A_103 : memref<328x128xf32, #tpu.memory_space<hbm>>)
        tpu.yield
      }) : () -> ()
      "tpu.region"() ({
        %run_scoped3A = tpu.sem_alloc : memref<!tpu.dma_semaphore, #tpu.memory_space<semaphore_mem>>
        %dma_start3A = tpu.memref_slice %arg28[%mul3A_7] : memref<5248xf32, #tpu.memory_space<vmem_shared>> -> memref<328xf32, #tpu.memory_space<vmem_shared>>
        %dma_start3A_100 = tpu.memref_slice %arg28[%mul3A_7] : memref<5248xf32, #tpu.memory_space<vmem_shared>> -> memref<328xf32, #tpu.memory_space<vmem_shared>>
        tpu.enqueue_dma source(%dma_start3A_100 : memref<328xf32, #tpu.memory_space<vmem_shared>>) target(%arg26 : memref<328xf32, #tpu.memory_space<vmem>>) target_semaphore(%run_scoped3A : memref<!tpu.dma_semaphore, #tpu.memory_space<semaphore_mem>>)
        %dma_wait3A = tpu.memref_slice %arg28[%mul3A_7] : memref<5248xf32, #tpu.memory_space<vmem_shared>> -> memref<328xf32, #tpu.memory_space<vmem_shared>>
        %dma_wait3A_101 = tpu.memref_slice %arg28[%mul3A_7] : memref<5248xf32, #tpu.memory_space<vmem_shared>> -> memref<328xf32, #tpu.memory_space<vmem_shared>>
        tpu.wait_dma2 semaphore(%run_scoped3A : memref<!tpu.dma_semaphore, #tpu.memory_space<semaphore_mem>>) src(%dma_wait3A_101 : memref<328xf32, #tpu.memory_space<vmem_shared>>) dst(%arg26 : memref<328xf32, #tpu.memory_space<vmem>>)
        tpu.yield
      }) : () -> ()
      "tpu.region"() ({
        %run_scoped3A = tpu.sem_alloc : memref<!tpu.dma_semaphore, #tpu.memory_space<semaphore_mem>>
        %dma_start3A = tpu.memref_slice %arg12[%mul3A_7] : memref<5248xf32, #tpu.memory_space<hbm>> -> memref<328xf32, #tpu.memory_space<hbm>>
        %dma_start3A_100 = tpu.memref_slice %arg12[%mul3A_7] : memref<5248xf32, #tpu.memory_space<hbm>> -> memref<328xf32, #tpu.memory_space<hbm>>
        tpu.enqueue_dma source(%arg26 : memref<328xf32, #tpu.memory_space<vmem>>) target(%dma_start3A_100 : memref<328xf32, #tpu.memory_space<hbm>>) target_semaphore(%run_scoped3A : memref<!tpu.dma_semaphore, #tpu.memory_space<semaphore_mem>>)
        %dma_wait3A = tpu.memref_slice %arg12[%mul3A_7] : memref<5248xf32, #tpu.memory_space<hbm>> -> memref<328xf32, #tpu.memory_space<hbm>>
        %dma_wait3A_101 = tpu.memref_slice %arg12[%mul3A_7] : memref<5248xf32, #tpu.memory_space<hbm>> -> memref<328xf32, #tpu.memory_space<hbm>>
        tpu.wait_dma2 semaphore(%run_scoped3A : memref<!tpu.dma_semaphore, #tpu.memory_space<semaphore_mem>>) src(%arg26 : memref<328xf32, #tpu.memory_space<vmem>>) dst(%dma_wait3A_101 : memref<328xf32, #tpu.memory_space<hbm>>)
        tpu.yield
      }) : () -> ()
      "tpu.region"() ({
        %run_scoped3A = tpu.sem_alloc : memref<!tpu.dma_semaphore, #tpu.memory_space<semaphore_mem>>
        %dma_start3A = tpu.memref_slice %arg29[%mul3A_7] : memref<5248xf32, #tpu.memory_space<vmem_shared>> -> memref<328xf32, #tpu.memory_space<vmem_shared>>
        %dma_start3A_100 = tpu.memref_slice %arg29[%mul3A_7] : memref<5248xf32, #tpu.memory_space<vmem_shared>> -> memref<328xf32, #tpu.memory_space<vmem_shared>>
        tpu.enqueue_dma source(%dma_start3A_100 : memref<328xf32, #tpu.memory_space<vmem_shared>>) target(%arg26 : memref<328xf32, #tpu.memory_space<vmem>>) target_semaphore(%run_scoped3A : memref<!tpu.dma_semaphore, #tpu.memory_space<semaphore_mem>>)
        %dma_wait3A = tpu.memref_slice %arg29[%mul3A_7] : memref<5248xf32, #tpu.memory_space<vmem_shared>> -> memref<328xf32, #tpu.memory_space<vmem_shared>>
        %dma_wait3A_101 = tpu.memref_slice %arg29[%mul3A_7] : memref<5248xf32, #tpu.memory_space<vmem_shared>> -> memref<328xf32, #tpu.memory_space<vmem_shared>>
        tpu.wait_dma2 semaphore(%run_scoped3A : memref<!tpu.dma_semaphore, #tpu.memory_space<semaphore_mem>>) src(%dma_wait3A_101 : memref<328xf32, #tpu.memory_space<vmem_shared>>) dst(%arg26 : memref<328xf32, #tpu.memory_space<vmem>>)
        tpu.yield
      }) : () -> ()
      "tpu.region"() ({
        %run_scoped3A = tpu.sem_alloc : memref<!tpu.dma_semaphore, #tpu.memory_space<semaphore_mem>>
        %dma_start3A = tpu.memref_slice %arg14[%mul3A_7] : memref<5248xf32, #tpu.memory_space<hbm>> -> memref<328xf32, #tpu.memory_space<hbm>>
        %dma_start3A_100 = tpu.memref_slice %arg14[%mul3A_7] : memref<5248xf32, #tpu.memory_space<hbm>> -> memref<328xf32, #tpu.memory_space<hbm>>
        tpu.enqueue_dma source(%arg26 : memref<328xf32, #tpu.memory_space<vmem>>) target(%dma_start3A_100 : memref<328xf32, #tpu.memory_space<hbm>>) target_semaphore(%run_scoped3A : memref<!tpu.dma_semaphore, #tpu.memory_space<semaphore_mem>>)
        %dma_wait3A = tpu.memref_slice %arg14[%mul3A_7] : memref<5248xf32, #tpu.memory_space<hbm>> -> memref<328xf32, #tpu.memory_space<hbm>>
        %dma_wait3A_101 = tpu.memref_slice %arg14[%mul3A_7] : memref<5248xf32, #tpu.memory_space<hbm>> -> memref<328xf32, #tpu.memory_space<hbm>>
        tpu.wait_dma2 semaphore(%run_scoped3A : memref<!tpu.dma_semaphore, #tpu.memory_space<semaphore_mem>>) src(%arg26 : memref<328xf32, #tpu.memory_space<vmem>>) dst(%dma_wait3A_101 : memref<328xf32, #tpu.memory_space<hbm>>)
        tpu.yield
      }) : () -> ()
    } else {
    }
    return
  }
}

module attributes {stable_mosaic.version = 14 : i64} {
  func.func @_mm_body(%arg0: i32, %arg1: memref<1000x256xf32, #tpu.memory_space<vmem>>, %arg2: memref<256x256xf32, #tpu.memory_space<vmem>>, %arg3: memref<1000x256xf32, #tpu.memory_space<vmem>>) attributes {dimension_semantics = [#tpu.dimension_semantics<arbitrary>], iteration_bounds = array<i64: 10>, scalar_prefetch = 0 : i64, scratch_operands = 0 : i64, tpu.core_type = #tpu.core_type<tc>, window_params = [{transform_indices = @transform_0, window_bounds = array<i64: 1000, 256>}, {pipeline_mode = #tpu.pipeline_mode<synchronous>, transform_indices = @transform_1, window_bounds = array<i64: 256, 256>}, {transform_indices = @transform_2, window_bounds = array<i64: 1000, 256>}]} {
    %get3A = arith.constant 0 : index
    %get3A_0 = arith.constant 0 : index
    %get3A_1 = vector.load %arg1[%get3A, %get3A_0] : memref<1000x256xf32, #tpu.memory_space<vmem>>, vector<1000x256xf32>
    %get3A_2 = arith.constant 0 : index
    %get3A_3 = arith.constant 0 : index
    %get3A_4 = vector.load %arg2[%get3A_2, %get3A_3] : memref<256x256xf32, #tpu.memory_space<vmem>>, vector<256x256xf32>
    %dot_general3A = arith.constant dense<0.000000e+00> : vector<1000x256xf32>
    %dot_general3A_5 = tpu.matmul %get3A_1, %get3A_4, %dot_general3A {dimension_numbers = #tpu.dot_dimension_numbers<[1], [0], [0], [1], [0, 0, 1, 1], [], []>, transpose_lhs_hint = false} : vector<1000x256xf32>, vector<256x256xf32>, vector<1000x256xf32> -> vector<1000x256xf32>
    %swap3A = arith.constant 0 : index
    %swap3A_6 = arith.constant 0 : index
    %swap3A_7 = vector.load %arg3[%swap3A, %swap3A_6] : memref<1000x256xf32, #tpu.memory_space<vmem>>, vector<1000x256xf32>
    tpu.vector_store %arg3[%swap3A, %swap3A_6], %dot_general3A_5 {strides = array<i32>} : memref<1000x256xf32, #tpu.memory_space<vmem>>, vector<1000x256xf32>,
    return
  }
  func.func @transform_0(%arg0: i32) -> (i32, i32) {
    %c0_i32 = arith.constant 0 : i32
    %c0_i32_0 = arith.constant 0 : i32
    return %arg0, %c0_i32 : i32, i32
  }
  func.func @transform_1(%arg0: i32) -> (i32, i32) {
    %c0_i32 = arith.constant 0 : i32
    %c0_i32_0 = arith.constant 0 : i32
    %c0_i32_1 = arith.constant 0 : i32
    return %c0_i32, %c0_i32_0 : i32, i32
  }
  func.func @transform_2(%arg0: i32) -> (i32, i32) {
    %c0_i32 = arith.constant 0 : i32
    %c0_i32_0 = arith.constant 0 : i32
    return %arg0, %c0_i32 : i32, i32
  }
}

module attributes {stable_mosaic.version = 14 : i64} {
  func.func @_final_body(%arg0: i32, %arg1: memref<1000x256xf32, #tpu.memory_space<vmem>>, %arg2: memref<256x256xf32, #tpu.memory_space<vmem>>, %arg3: memref<1000x256xf32, #tpu.memory_space<vmem>>, %arg4: memref<1000x1xf32, #tpu.memory_space<vmem>>, %arg5: memref<1000x1xf32, #tpu.memory_space<vmem>>, %arg6: memref<1000x1xf32, #tpu.memory_space<vmem>>, %arg7: memref<1000x256xf32, #tpu.memory_space<vmem>>) attributes {dimension_semantics = [#tpu.dimension_semantics<arbitrary>], iteration_bounds = array<i64: 10>, scalar_prefetch = 0 : i64, scratch_operands = 0 : i64, tpu.core_type = #tpu.core_type<tc>, window_params = [{transform_indices = @transform_0, window_bounds = array<i64: 1000, 256>}, {pipeline_mode = #tpu.pipeline_mode<synchronous>, transform_indices = @transform_1, window_bounds = array<i64: 256, 256>}, {transform_indices = @transform_2, window_bounds = array<i64: 1000, 256>}, {transform_indices = @transform_3, window_bounds = array<i64: 1000, 1>}, {transform_indices = @transform_4, window_bounds = array<i64: 1000, 1>}, {transform_indices = @transform_5, window_bounds = array<i64: 1000, 1>}, {transform_indices = @transform_6, window_bounds = array<i64: 1000, 256>}]} {
    %get3A = arith.constant 0 : index
    %get3A_0 = arith.constant 0 : index
    %get3A_1 = vector.load %arg1[%get3A, %get3A_0] : memref<1000x256xf32, #tpu.memory_space<vmem>>, vector<1000x256xf32>
    %get3A_2 = arith.constant 0 : index
    %get3A_3 = arith.constant 0 : index
    %get3A_4 = vector.load %arg2[%get3A_2, %get3A_3] : memref<256x256xf32, #tpu.memory_space<vmem>>, vector<256x256xf32>
    %dot_general3A = arith.constant dense<0.000000e+00> : vector<1000x256xf32>
    %dot_general3A_5 = tpu.matmul %get3A_1, %get3A_4, %dot_general3A {dimension_numbers = #tpu.dot_dimension_numbers<[1], [0], [0], [1], [0, 0, 1, 1], [], []>, transpose_lhs_hint = false} : vector<1000x256xf32>, vector<256x256xf32>, vector<1000x256xf32> -> vector<1000x256xf32>
    %get3A_6 = arith.constant 0 : index
    %get3A_7 = arith.constant 0 : index
    %get3A_8 = vector.load %arg4[%get3A_6, %get3A_7] : memref<1000x1xf32, #tpu.memory_space<vmem>>, vector<1000x1xf32>
    %add3A = arith.constant 9.99999997E-7 : f32
    %add3A_9 = vector.broadcast %add3A : f32 to vector<1000x1xf32>
    %add3A_10 = arith.addf %get3A_8, %add3A_9 : vector<1000x1xf32>
    %get3A_11 = arith.constant 0 : index
    %get3A_12 = arith.constant 0 : index
    %get3A_13 = vector.load %arg5[%get3A_11, %get3A_12] : memref<1000x1xf32, #tpu.memory_space<vmem>>, vector<1000x1xf32>
    %add3A_14 = arith.constant 9.99999997E-7 : f32
    %add3A_15 = vector.broadcast %add3A_14 : f32 to vector<1000x1xf32>
    %add3A_16 = arith.addf %get3A_13, %add3A_15 : vector<1000x1xf32>
    %mul3A = arith.mulf %add3A_10, %add3A_16 : vector<1000x1xf32>
    %get3A_17 = arith.constant 0 : index
    %get3A_18 = arith.constant 0 : index
    %get3A_19 = vector.load %arg3[%get3A_17, %get3A_18] : memref<1000x256xf32, #tpu.memory_space<vmem>>, vector<1000x256xf32>
    %div3A = vector.broadcast %mul3A : vector<1000x1xf32> to vector<1000x256xf32>
    %div3A_20 = arith.divf %get3A_19, %div3A : vector<1000x256xf32>
    %get3A_21 = arith.constant 0 : index
    %get3A_22 = arith.constant 0 : index
    %get3A_23 = vector.load %arg6[%get3A_21, %get3A_22] : memref<1000x1xf32, #tpu.memory_space<vmem>>, vector<1000x1xf32>
    %neg3A = arith.constant 0.000000e+00 : f32
    %neg3A_24 = vector.broadcast %neg3A : f32 to vector<1000x1xf32>
    %neg3A_25 = arith.subf %neg3A_24, %get3A_23 : vector<1000x1xf32>
    %exp3A = math.exp %neg3A_25 : vector<1000x1xf32>
    %add3A_26 = arith.constant 1.000000e+00 : f32
    %add3A_27 = vector.broadcast %add3A_26 : f32 to vector<1000x1xf32>
    %add3A_28 = arith.addf %add3A_27, %exp3A : vector<1000x1xf32>
    %div3A_29 = arith.constant 1.000000e+00 : f32
    %div3A_30 = vector.broadcast %div3A_29 : f32 to vector<1000x1xf32>
    %div3A_31 = arith.divf %div3A_30, %add3A_28 : vector<1000x1xf32>
    %mul3A_32 = vector.broadcast %div3A_31 : vector<1000x1xf32> to vector<1000x256xf32>
    %mul3A_33 = arith.mulf %mul3A_32, %dot_general3A_5 : vector<1000x256xf32>
    %add3A_34 = arith.addf %div3A_20, %mul3A_33 : vector<1000x256xf32>
    %ge3A = arith.constant 0.000000e+00 : f32
    %ge3A_35 = vector.broadcast %ge3A : f32 to vector<1000x256xf32>
    %ge3A_36 = arith.cmpf oge, %add3A_34, %ge3A_35 : vector<1000x256xf32>
    %mul3A_37 = arith.constant 0.00999999977 : f32
    %mul3A_38 = vector.broadcast %mul3A_37 : f32 to vector<1000x256xf32>
    %mul3A_39 = arith.mulf %mul3A_38, %add3A_34 : vector<1000x256xf32>
    %select_n3A = arith.select %ge3A_36, %add3A_34, %mul3A_39 : vector<1000x256xi1>, vector<1000x256xf32>
    %swap3A = arith.constant 0 : index
    %swap3A_40 = arith.constant 0 : index
    %swap3A_41 = vector.load %arg7[%swap3A, %swap3A_40] : memref<1000x256xf32, #tpu.memory_space<vmem>>, vector<1000x256xf32>
    tpu.vector_store %arg7[%swap3A, %swap3A_40], %select_n3A {strides = array<i32>} : memref<1000x256xf32, #tpu.memory_space<vmem>>, vector<1000x256xf32>,
    return
  }
  func.func @transform_0(%arg0: i32) -> (i32, i32) {
    %c0_i32 = arith.constant 0 : i32
    %c0_i32_0 = arith.constant 0 : i32
    return %arg0, %c0_i32 : i32, i32
  }
  func.func @transform_1(%arg0: i32) -> (i32, i32) {
    %c0_i32 = arith.constant 0 : i32
    %c0_i32_0 = arith.constant 0 : i32
    %c0_i32_1 = arith.constant 0 : i32
    return %c0_i32, %c0_i32_0 : i32, i32
  }
  func.func @transform_2(%arg0: i32) -> (i32, i32) {
    %c0_i32 = arith.constant 0 : i32
    %c0_i32_0 = arith.constant 0 : i32
    return %arg0, %c0_i32 : i32, i32
  }
  func.func @transform_3(%arg0: i32) -> (i32, i32) {
    %c0_i32 = arith.constant 0 : i32
    %c0_i32_0 = arith.constant 0 : i32
    return %arg0, %c0_i32 : i32, i32
  }
  func.func @transform_4(%arg0: i32) -> (i32, i32) {
    %c0_i32 = arith.constant 0 : i32
    %c0_i32_0 = arith.constant 0 : i32
    return %arg0, %c0_i32 : i32, i32
  }
  func.func @transform_5(%arg0: i32) -> (i32, i32) {
    %c0_i32 = arith.constant 0 : i32
    %c0_i32_0 = arith.constant 0 : i32
    return %arg0, %c0_i32 : i32, i32
  }
  func.func @transform_6(%arg0: i32) -> (i32, i32) {
    %c0_i32 = arith.constant 0 : i32
    %c0_i32_0 = arith.constant 0 : i32
    return %arg0, %c0_i32 : i32, i32
  }
}

</mosaic_0001>

<sc_bundles>
// kernel: kernel.6.cloned.1.call-start
scs
__scs_entry_jumppad:
0x0: {  	(pc) =	sbr.rel $0x88, $3  }
0x1: {  	(tag) =	ssettag $0x0;
	lr =	simm.s32 $0x1  }
0x2: {  	[smem:$0x3F96] =	sst lr;
	_ =	strace $0xD0000000  }
0x3: {  	_ = 	snop  }
0x4: {  	_ = 	snop  }
0x5: {  	_ = 	snop  }
0x6: {  	_ = 	snop  }
0x7: {  	_ = 	snop  }
__scs_overlays_trampoline_lowered:
0x8: {  	[smem:$0x3FA5] =	sst s0  }
0x9: {  	[smem:$0x3FA6] =	sst s1  }
0xa: {  	[smem:$0x3FA7] =	sst s2  }
0xb: {  	[smem:$0x3FA8] =	sst s3  }
0xc: {  	[smem:$0x3FA9] =	sst s4  }
0xd: {  	[smem:$0x3FAA] =	sst s5  }
0xe: {  	[smem:$0x3FAB] =	sst s6  }
0xf: {  	[smem:$0x3FAC] =	sst s7  }
0x10: {  	[smem:$0x3FAD] =	sst s8  }
0x11: {  	[smem:$0x3FAE] =	sst s9;
	s0 =	simm.s32 @!p0 $0x0  }
0x12: {  	s1 =	sld [smem:$0x3F94];
	s0 =	simm.s32 @p0 $0x1  }
0x13: {  	[smem:$0x3FAF] =	sst s0;
	s0 =	simm.s32 @!p1 $0x0  }
0x14: {  	s2 =	sld [smem:$0x3F93];
	s0 =	simm.s32 @p1 $0x1  }
0x15: {  	[smem:$0x3FB0] =	sst s0;
	s0 =	simm.s32 @!p2 $0x0  }
0x16: {  	s3 =	sld [smem:$0x3FDB];
	s0 =	simm.s32 @p2 $0x1  }
0x17: {  	s4 =	simm.s32 $0x1BF5;
	[smem:$0x3FB2] =	sst s0  }
0x18: {  	s0 =	sld [smem:$0x3F95];
	_ =	swait.ge [sflag:s4], $0x0  }
0x19: {  	s7 =	sld [smem:$0x3F96]  }
0x1a: {  	s8 =	sadd.s32 $0xFFFFE003, lr  }
0x1b: {  	s9 =	sadd.s32 $0xFFFFFEF7, lr;
	s5 =	simm.s32 $0xFFFFFFFF;
	p2 =	slt.u32 s8, $0xFFFFF086  }
0x1c: {  	p1 =	slt.u32 s9, $0xF7A;
	s5 =	simm.s32 @!p2 $0x0  }
0x1d: {  	s5 =	simm.s32 @p1 $0x1;
	p0 =	seq.s32 s7, s2  }
0x1e: {  	s7 =	smul.u32 @!p0 $0xF7A, s2;
	p2 =	seq.s32 @!p0 s5, $0x0  }
0x1f: {  	s9 =	smul.u32 $0xF7A, s1;
	s8 =	simm.s32 @!p0 $0x1BF5;
	p2 =	por !p2, p0  }
0x20: {  	[sflag:s8] =	ssyncset.s32 @!p0 $0xFFFFF086;
	s6 =	sadd.s32 @!p0 s3, s7;
	s7 =	simm.s32 @!p0 $0x108  }
0x21: {  	s3 =	sadd.s32 s3, s9;
	s6 =	sadd.s32 @!p0 $0x88, s6;
	s7 =	simm.s32 @p2 $0x1082  }
0x22: {  	[simem:s7], [sflag:s8] =	dma.local @!p0 [hbm:s6], $0xF7A  }
0x23: {  	s9 =	sor.u32 $0xD0000000, s2;
	s6 =	simm.s32 $0x108;
	_ =	swait.ge @!p0 [sflag:s8], $0x0  }
0x24: {  	s3 =	sadd.s32 $0x88, s3;
	s6 =	simm.s32 @!p1 $0x1082;
	[sflag:s4] =	ssyncset.s32 $0xFFFFF086  }
0x25: {  	[simem:s6], [sflag:s4] =	dma.local [hbm:s3], $0xF7A  }
0x26: {  	[smem:$0x3F96] =	sst s1;
	(tag) =	ssettag s2;
	_ =	strace s9  }
0x27: {  	s1 =	sld [smem:$0x3FA6]  }
0x28: {  	s2 =	sld [smem:$0x3FA7]  }
0x29: {  	s4 =	sld [smem:$0x3FA9]  }
0x2a: {  	p0 =	seq.s32 s5, $0x0;
	s5 =	sld [smem:$0x3FAA]  }
0x2b: {  	s6 =	sld [smem:$0x3FAB]  }
0x2c: {  	s7 =	sld [smem:$0x3FAC]  }
0x2d: {  	s3 =	simm.s32 $0x108;
	s8 =	sld [smem:$0x3FAD]  }
0x2e: {  	s3 =	simm.s32 @!p0 $0x1082;
	s9 =	sld [smem:$0x3FAE]  }
0x2f: {  	lr =	sadd.s32 s0, s3;
	s0 =	sld [smem:$0x3FA5]  }
0x30: {  	s3 =	sld [smem:$0x3FA8]  }
0x31: {  	[smem:$0x3FB1] =	sst s10  }
0x32: {  	s10 =	sld [smem:$0x3FAF];
	_ =	sdelay $0x3  }
0x33: {  	p0 =	seq.s32 s10, $0x1;
	s10 =	sld [smem:$0x3FB1];
	_ =	sdelay $0x3  }
0x34: {  	[smem:$0x3FB1] =	sst s10  }
0x35: {  	s10 =	sld [smem:$0x3FB0];
	_ =	sdelay $0x3  }
0x36: {  	p1 =	seq.s32 s10, $0x1;
	s10 =	sld [smem:$0x3FB1];
	_ =	sdelay $0x3  }
0x37: {  	[smem:$0x3FB1] =	sst s10  }
0x38: {  	s10 =	sld [smem:$0x3FB2]  }
0x39: {  	_ = 	snop;
	(pc) =	sbr.ind lr, $3  }
0x3a: {  	_ = 	snop  }
0x3b: {  	_ = 	snop  }
0x3c: {  	p2 =	seq.s32 s10, $0x1;
	s10 =	sld [smem:$0x3FB1]  }
0x3d: {  	_ =	shalt  }
0x3e: {  	_ =	shalt  }
0x3f: {  	_ =	shalt  }
0x40: {  	_ =	shalt  }
0x41: {  	_ =	shalt  }
0x42: {  	_ =	shalt  }
0x43: {  	_ =	shalt  }
0x44: {  	_ =	shalt  }
0x45: {  	_ =	shalt  }
0x46: {  	_ =	shalt  }
0x47: {  	_ =	shalt  }
0x48: {  	_ =	shalt  }
0x49: {  	_ =	shalt  }
0x4a: {  	_ =	shalt  }
0x4b: {  	_ =	shalt  }
0x4c: {  	_ =	shalt  }
0x4d: {  	_ =	shalt  }
0x4e: {  	_ =	shalt  }
0x4f: {  	_ =	shalt  }
0x50: {  	_ =	shalt  }
0x51: {  	_ =	shalt  }
0x52: {  	_ =	shalt  }
0x53: {  	_ =	shalt  }
0x54: {  	_ =	shalt  }
0x55: {  	_ =	shalt  }
0x56: {  	_ =	shalt  }
0x57: {  	_ =	shalt  }
0x58: {  	_ =	shalt  }
0x59: {  	_ =	shalt  }
0x5a: {  	_ =	shalt  }
0x5b: {  	_ =	shalt  }
0x5c: {  	_ =	shalt  }
0x5d: {  	_ =	shalt  }
0x5e: {  	_ =	shalt  }
0x5f: {  	_ =	shalt  }
0x60: {  	_ =	shalt  }
0x61: {  	_ =	shalt  }
0x62: {  	_ =	shalt  }
0x63: {  	_ =	shalt  }
0x64: {  	_ =	shalt  }
0x65: {  	_ =	shalt  }
0x66: {  	_ =	shalt  }
0x67: {  	_ =	shalt  }
0x68: {  	_ =	shalt  }
0x69: {  	_ =	shalt  }
0x6a: {  	_ =	shalt  }
0x6b: {  	_ =	shalt  }
0x6c: {  	_ =	shalt  }
0x6d: {  	_ =	shalt  }
0x6e: {  	_ =	shalt  }
0x6f: {  	_ =	shalt  }
0x70: {  	_ =	shalt  }
0x71: {  	_ =	shalt  }
0x72: {  	_ =	shalt  }
0x73: {  	_ =	shalt  }
0x74: {  	_ =	shalt  }
0x75: {  	_ =	shalt  }
0x76: {  	_ =	shalt  }
0x77: {  	_ =	shalt  }
0x78: {  	_ =	shalt  }
0x79: {  	_ =	shalt  }
0x7a: {  	_ =	shalt  }
0x7b: {  	_ =	shalt  }
0x7c: {  	_ =	shalt  }
0x7d: {  	_ =	shalt  }
0x7e: {  	_ =	shalt  }
0x7f: {  	_ =	shalt  }
0x80: {  	_ =	shalt  }
0x81: {  	_ =	shalt  }
0x82: {  	_ =	shalt  }
0x83: {  	_ =	shalt  }
0x84: {  	_ =	shalt  }
0x85: {  	_ =	shalt  }
0x86: {  	_ =	shalt  }
0x87: {  	_ =	shalt  }
.Lfunc_end0:
.L_simem_size_0:
called_computation_lowered:
.L_overlay_start_0:
0x88: {  	s2 =	sld [smem:$0x3FD9]  }
0x89: {  	s3 =	sld [smem:$0x3FFE];
	_ =	sdelay $0x1  }
0x8a: {  	s1 =	srdreg.scid  }
0x8b: {  	s0 =	sand.u32 $0x1, s1  }
0x8c: {  	s17 =	sshll.u32 s0, $0xA;
	s2 =	sadd.s32 s3, s2  }
0x8d: {  	s2 =	sadd.s32 s2, s17  }
0x8e: {  	[smem:$0x3FBD] =	sst s2  }
0x8f: {  	_ = 	snop  }
0x90: {  	s18 =	sld [smem:$0x3FC7]  }
0x91: {  	s4 =	sld [smem:$0x3FC5]  }
0x92: {  	s5 =	sld [smem:$0x3FD0];
	(tm) =	ssettm $0x1  }
0x93: {  	s19 =	sld [smem:$0x3FFB];
	_ =	sdelay $0x3  }
0x94: {  	_ =	strace s19  }
0x95: {  	s2 =	sld [smem:$0x3FFC];
	_ =	sdelay $0x3  }
0x96: {  	_ =	strace s2  }
0x97: {  	s2 =	sld [smem:$0x3FFD];
	_ =	sdelay $0x3  }
0x98: {  	_ =	strace s2  }
0x99: {  	_ =	strace $0x8FFFFFFF  }
0x9a: {  	s20 =	sld [smem:$0x3FDB];
	_ =	sdelay $0x1  }
0x9b: {  	s6 =	simm.s32 $_scs_section_size  }
0x9c: {  	s7 =	simm.s32 $_size__tile_overlayer_lowered;
	s8 =	simm.s32 $_tile_overlayer_lowered  }
0x9d: {  	s9 =	simm.s32 $0x1BFF;
	s21 =	sshll.u32 s8, $0x1;
	s6 =	sadd.s32 s6, s20  }
0x9e: {  	s22 =	simm.s32 $0x0;
	s7 =	sshll.u32 s7, $0x1;
	s8 =	sadd.s32 s21, s6  }
0x9f: {  	[timem:s22], [sflag:s9] =	dma.local [hbm:s8], s7  }
0xa0: {  	_ =	swait.ge [sflag:s9], s7  }
0xa1: {  	s7 =	ssub.s32 $0x0, s7;
	[sflag:s9] =	ssyncset.done $0x0  }
0xa2: {  	[sflag:s9] =	ssyncadd.s32 s7;
	_ =	sdelay $0x1  }
0xa3: {  	s23 =	simm.s32 $0x1B8B  }
0xa4: {  	_ =	swait.ge [sflag:s23], $0x1  }
0xa5: {  	[sflag:s23] =	ssyncset.done $0x0  }
0xa6: {  	[sflag:s23] =	ssyncadd.s32 $0xFFFFFFFF  }
0xa7: {  	s7 =	sld [smem:$0x0]  }
0xa8: {  	s8 =	sand.u32 $0xFFFFFFFE, s1  }
0xa9: {  	p0 =	sne.s32 s1, s8  }
0xaa: {  	s8 =	sshll.u32 @p0 s8, $0xE  }
0xab: {  	s8 =	sadd.s32 @p0 $0x11B8D, s8;
	s9 =	sshll.u32 @p0 s7, $0x11  }
0xac: {  	s8 =	sor.u32 @p0 s9, s8  }
0xad: {  	[sflag:s8] =	ssyncadd.remote.s32 @p0 $0x1;
	_ =	sdelay $0x1  }
0xae: {  	s8 =	simm.s32 @p0 $0x1B8D  }
0xaf: {  	_ =	swait.eq @p0 [sflag:s8], $0x1  }
0xb0: {  	[sflag:s8] =	ssyncadd.s32 @p0 $0xFFFFFFFF  }
0xb1: {  	s9 =	sshll.u32 @!p0 s1, $0xE  }
0xb2: {  	s9 =	sor.u32 @!p0 $0x4000, s9;
	s8 =	simm.s32 @!p0 $0x1B8D  }
0xb3: {  	s7 =	sshll.u32 @!p0 s7, $0x11;
	s9 =	sadd.s32 @!p0 $0x11B8D, s9;
	_ =	swait.eq @!p0 [sflag:s8], $0x1  }
0xb4: {  	s7 =	sor.u32 @!p0 s7, s9;
	[sflag:s8] =	ssyncadd.s32 @!p0 $0xFFFFFFFF  }
0xb5: {  	s25 =	simm.s32 $0x1B8E;
	s24 =	sld [smem:$0x3FFE];
	[sflag:s7] =	ssyncadd.remote.s32 @!p0 $0x1  }
0xb6: {  	s26 =	simm.s32 $execute0_lowered;
	[smem:$0x3FD2] =	sst s25  }
0xb7: {  	s8 =	sshll.u32 s26, $0x1;
	_ =	strace $0x80000049;
	[dreg:$0x1] =	wrdreg $0xFFFFFFFF  }
0xb8: {  	s28 =	simm.s32 $_size_execute0_lowered;
	s6 =	sadd.s32 s6, s8;
	[dreg:$0x0] =	wrdreg $0x0  }
0xb9: {  	s8 =	sshll.u32 s28, $0x1;
	[dreg:$0x2] =	wrdreg s6  }
0xba: {  	[dreg:$0x3] =	wrdreg s8  }
0xbb: {  	[dreg:$0x4] =	wrdreg $0xC0  }
0xbc: {  	_ =	task [dreg:s22], $0x5FFFF  }
0xbd: {  	[dreg:$0x1] =	wrdreg $0xFFFFFFFF  }
0xbe: {  	[dreg:$0x0] =	wrdreg $0x60  }
0xbf: {  	[dreg:$0x2] =	wrdreg s24  }
0xc0: {  	[dreg:$0x3] =	wrdreg s18  }
0xc1: {  	[dreg:$0x4] =	wrdreg s4  }
0xc2: {  	[dreg:$0x5] =	wrdreg s5  }
0xc3: {  	[dreg:$0x6] =	wrdreg $0xDD800  }
0xc4: {  	[dreg:$0x7] =	wrdreg $0x181800  }
0xc5: {  	[dreg:$0x8] =	wrdreg $0x182C80  }
0xc6: {  	[dreg:$0x9] =	wrdreg $0x9  }
0xc7: {  	_ =	task.clear_ibuf [dreg:s22], $0xAFFFF;
	_ =	strace $0x90000049  }
0xc8: {  	s29 =	simm.s32 $0x9;
	_ =	strace $0x8000004B  }
0xc9: {  	_ =	swait.ge [sflag:s29], $0x1  }
0xca: {  	[sflag:s29] =	ssyncadd.s32 $0xFFFFFFFF  }
0xcb: {  	_ =	strace $0x9000004B  }
0xcc: {  	_ =	sfence  }
0xcd: {  	s30 =	sld [smem:$0x0];
	_ =	sdelay $0x2  }
0xce: {  	s31 =	sshll.u32 s1, $0xD;
	s1 =	sshrl.u32 s1, $0x2  }
0xcf: {  	s4 =	sand.u32 $0x4000, s31;
	s1 =	sadd.s32 s1, s30  }
0xd0: {  	s0 =	sor.u32 s4, s0;
	s1 =	sshll.u32 s1, $0x11  }
0xd1: {  	s0 =	sor.u32 s1, s0  }
0xd2: {  	s0 =	sadd.s32 $0x8F2B, s0  }
0xd3: {  	[sflag:s0] =	ssyncadd.remote.s32 $0x1  }
0xd4: {  	_ =	sfence.sel $0xFFFF  }
0xd5: {  	[dreg:$0x0] =	wrdreg $0xFFFFFFFF;
	(pc) =	sbr.abs _section_cstart, $3  }
0xd6: {  	[dreg:$0x1] =	wrdreg $0xFFFFFFFF  }
0xd7: {  	_ =	task.clear_ibuf [dreg:s22], $0x2FFFF;
	_ =	strace $0x9FFFFFFF  }
0xd8: {  	(tm) =	ssettm $0x7FFFFFFF  }
0xd9: {  	_ =	shalt  }
tec
execute0_lowered:
.L_overlay_start_1:
0x0: {  	(tag) =	ssettag $0x1  }
0x1: {  	s0 =	rddreg [dreg:$0x0]  }
0x2: {  	s3 =	rddreg [dreg:$0x3]  }
0x3: {  	s4 =	rddreg [dreg:$0x4]  }
0x4: {  	s5 =	rddreg [dreg:$0x5]  }
0x5: {  	s6 =	rddreg [dreg:$0x6];
	s1 =	simm.s32 $0x0  }
0x6: {  	s14 =	srdreg.scid;
	s22 =	stileid.u32;
	s28 =	simm.s32 $0x190  }
0x7: {  	s29 =	simm.s32 $0xA00;
	s30 =	simm.s32 $0xC00;
	s31 =	simm.s32 $0xE00  }
0x8: {  	[smem:$0x7FF] =	sst s1;
	s8 =	sadd.s32 $0x6E00, s0;
	s9 =	sadd.s32 $0x1E00, s0  }
0x9: {  	s10 =	sadd.s32 $0x33600, s0;
	s11 =	sadd.s32 $0x33000, s0;
	s7 =	sadd.s32 $0x5CC00, s0  }
0xa: {  	s12 =	sadd.s32 $0x72400, s0;
	s13 =	sadd.s32 $0x71400, s0;
	s18 =	smul.u32 $0x29000, s22  }
0xb: {  	s15 =	sadd.s32 $0x71800, s0;
	s14 =	sand.u32 $0x1, s14;
	s20 =	smul.u32 $0x148, s22  }
0xc: {  	s17 =	sadd.s32 $0x71C00, s0;
	s0 =	sadd.s32 $0x72000, s0;
	s26 =	smul.u32 $0x1480, s22  }
0xd: {  	_ =	strace $0x8000004A;
	s16 =	ssub.s32 $0x2, s14;
	s23 =	smul.u32 $0xFFFFEC00, s14  }
0xe: {  	p0 =	seq.s32 s14, $0x1;
	s14 =	simm.s32 $0xDC00;
	s19 =	sshrl.u32 s16, $0x1  }
0xf: {  	s24 =	sshrl.u32 s18, $0x2;
	s2 =	sadd.s32 s20, s5;
	s25 =	sadd.s32 s20, s6  }
0x10: {  	s7 =	smov.u32 @p0 s12;
	s21 =	sshrl.u32 s20, $0x3;
	s13 =	smov.u32 @p0 s15  }
0x11: {  	s17 =	smov.u32 @p0 s0;
	s0 =	simm.s32 $0x400;
	s12 =	simm.s32 $0x1000  }
0x12: {  	s19 =	ssub.s32 s16, s19;
	s18 =	sadd.s32 s24, s4;
	[dreg:$0xa] =	wrdreg s25  }
0x13: {  	s16 =	smul.u32 $0x2710, s22;
	s24 =	sadd.s32 s7, s26;
	[dreg:$0x9] =	wrdreg s2  }
0x14: {  	s25 =	sadd.s32 s13, s21;
	s26 =	sadd.s32 s17, s21;
	[dreg:$0xc] =	wrdreg s24  }
0x15: {  	s21 =	simm.s32 $0x1400;
	s7 =	simm.s32 $0x0;
	[dreg:$0xd] =	wrdreg s25  }
0x16: {  	s17 =	simm.s32 $0x0;
	s22 =	smax.u32 s19, $0x1;
	[dreg:$0xe] =	wrdreg s26  }
0x17: {  	s24 =	simm.s32 $0x200;
	s25 =	simm.s32 $0x800;
	[dreg:$0x8] =	wrdreg s18  }
0x18: {  	v1 =	vimm.f32 $0.0e+00;
	v0 =	vmov s23;
	s26 =	simm.s32 $0x1;
	[dreg:$0xb] =	wrdreg s22;
	s22 =	simm.s32 $0x2  }
.LBB2_1:
0x19: {  	[dreg:$0xf] =	wrdreg s7;
	s7 =	simm.s32 $0x0;
	s13 =	simm.s32 $0x200  }
.LBB2_2:
0x1a: {  	p0 =	sne.s32 s13, $0x28E00;
	[tilespmem:s7+$0x1470] =	vst v1  }
0x1b: {  	[tilespmem:s7+$0x1400] =	vst v1  }
0x1c: {  	[tilespmem:s7+$0x1410] =	vst v1  }
.Ltmp0:
0x1d: {  	[tilespmem:s7+$0x1420] =	vst v1;
	(pc) =	sbr.rel @p0 .LBB2_2-.Ltmp0, $4  }
0x1e: {  	[tilespmem:s7+$0x1430] =	vst v1  }
0x1f: {  	[tilespmem:s7+$0x1440] =	vst v1  }
0x20: {  	[tilespmem:s7+$0x1450] =	vst v1  }
0x21: {  	[tilespmem:s7+$0x1460] =	vst v1;
	s7 =	sshra.s32 s13, $0x2;
	s13 =	sadd.s32 $0x200, s13  }
0x22: {  	[tilespmem:s7+$0x1470] =	vst v1  }
0x23: {  	[tilespmem:s7+$0x1400] =	vst v1  }
0x24: {  	[tilespmem:s7+$0x1410] =	vst v1  }
0x25: {  	[tilespmem:s7+$0x1420] =	vst v1  }
0x26: {  	[tilespmem:s7+$0x1430] =	vst v1  }
0x27: {  	[tilespmem:s7+$0x1440] =	vst v1  }
0x28: {  	[tilespmem:s7+$0x1450] =	vst v1  }
0x29: {  	[tilespmem:s7+$0x1460] =	vst v1  }
0x2a: {  	[spmem:s18] =	stream.linear.scatter [tilespmem:s21], [sflag:$0x2], $0xA400, $0x38;
	[tilespmem:$0x18410] =	vst v63  }
0x2b: {  	_ =	swait.ge [sflag:s22], $0xA400  }
0x2c: {  	[sflag:s22] =	ssyncset.done $0x0  }
0x2d: {  	[sflag:s22] =	ssyncadd.s32 $0xFFFF5C00  }
0x2e: {  	[tilespmem:$0xDC00] =	vst v1  }
0x2f: {  	[tilespmem:$0xDC10] =	vst v1  }
0x30: {  	[tilespmem:$0xDC20] =	vst v1  }
0x31: {  	[tilespmem:$0xDC30] =	vst v1  }
0x32: {  	[tilespmem:$0xDC40] =	vst v1  }
0x33: {  	[tilespmem:$0xDC50] =	vst v1  }
0x34: {  	[tilespmem:$0xDC60] =	vst v1  }
0x35: {  	[tilespmem:$0xDC70] =	vst v1  }
0x36: {  	[tilespmem:$0xDC80] =	vst v1  }
0x37: {  	[tilespmem:$0xDC90] =	vst v1  }
0x38: {  	[tilespmem:$0xDCA0] =	vst v1  }
0x39: {  	[tilespmem:$0xDCB0] =	vst v1  }
0x3a: {  	[tilespmem:$0xDCC0] =	vst v1  }
0x3b: {  	[tilespmem:$0xDCD0] =	vst v1  }
0x3c: {  	[tilespmem:$0xDCE0] =	vst v1  }
0x3d: {  	[tilespmem:$0xDCF0] =	vst v1  }
0x3e: {  	[tilespmem:$0xDD00] =	vst v1  }
0x3f: {  	[tilespmem:$0xDD10] =	vst v1  }
0x40: {  	[tilespmem:$0xDD20] =	vst v1  }
0x41: {  	[tilespmem:$0xDD30] =	vst v1  }
0x42: {  	[spmem:s2] =	stream.linear.scatter [tilespmem:s14], [sflag:$0x2], $0x148, $0x38;
	[tilespmem:$0x18410] =	vst v63  }
0x43: {  	_ =	swait.ge [sflag:s22], $0x148  }
0x44: {  	[sflag:s22] =	ssyncset.done $0x0  }
0x45: {  	s1 =	rddreg [dreg:$0xa];
	[sflag:s22] =	ssyncadd.s32 $0xFFFFFEB8  }
0x46: {  	[spmem:s1] =	stream.linear.scatter [tilespmem:s14], [sflag:$0x2], $0x148, $0x38;
	[tilespmem:$0x18410] =	vst v63  }
0x47: {  	_ =	swait.ge [sflag:s22], $0x148  }
0x48: {  	[sflag:s22] =	ssyncset.done $0x0  }
0x49: {  	[sflag:s22] =	ssyncadd.s32 $0xFFFFFEB8  }
0x4a: {  	s18 =	simm.s32 $0x0;
	[bflag:$0x0] =	sbarrier.arrive $0xFFFF  }
.LBB2_4:
0x4b: {  	s7 =	smul.u32 $0x190, s18;
	_ =	sdelay $0x1  }
0x4c: {  	s7 =	sadd.s32 s16, s7  }
0x4d: {  	s7 =	sshrl.u32 s7, $0x3  }
0x4e: {  	s13 =	sadd.s32 s8, s7  }
0x4f: {  	[tilespmem:s17], [sflag:$0x1] =	stream.linear.gather [hbm4b:s13+s17], $0x190, $0x38;
	[tilespmem:$0x18410] =	vst v63  }
0x50: {  	s1 =	rddreg [dreg:$0x1];
	s20 =	sadd.s32 s9, s7  }
0x51: {  	[tilespmem:s24], [sflag:$0x1] =	stream.linear.gather [hbm4b:s20+s17], $0x190, $0x38;
	[tilespmem:$0x18410] =	vst v63  }
0x52: {  	s7 =	sadd.s32 s1, s7  }
0x53: {  	[tilespmem:s25], [sflag:$0x1] =	stream.linear.gather [hbm4b:s7+s17], $0x190, $0x38;
	[tilespmem:$0x18410] =	vst v63  }
0x54: {  	_ =	swait.ge [sflag:s26], $0x190  }
0x55: {  	[sflag:s26] =	ssyncset.done $0x0  }
0x56: {  	[sflag:s26] =	ssyncadd.s32 $0xFFFFFE70  }
0x57: {  	_ =	swait.ge [sflag:s26], $0x190  }
0x58: {  	[sflag:s26] =	ssyncset.done $0x0  }
0x59: {  	[sflag:s26] =	ssyncadd.s32 $0xFFFFFE70  }
0x5a: {  	_ =	swait.ge [sflag:s26], $0x190  }
0x5b: {  	[sflag:s26] =	ssyncset.done $0x0  }
0x5c: {  	[sflag:s26] =	ssyncadd.s32 $0xFFFFFE70  }
0x5d: {  	[tilespmem:s29], [sflag:$0x1] =	stream.indirect.gather [hbm4b:s10+s28], $0x1, s17, s28, $0xb8;
	[tilespmem:$0x18410] =	vst v63  }
0x5e: {  	_ = 	snop  }
0x5f: {  	[tilespmem:s30], [sflag:$0x1] =	stream.indirect.gather [hbm4b:s11+s28], $0x1, s24, s28, $0xb8;
	[tilespmem:$0x18410] =	vst v63  }
0x60: {  	s23 =	rddreg [dreg:$0x2]  }
0x61: {  	[tilespmem:s31], [sflag:$0x1] =	stream.indirect.gather [hbm4b:s23+s28], $0x1, s24, s28, $0xb8;
	[tilespmem:$0x18410] =	vst v63  }
0x62: {  	_ = 	snop  }
0x63: {  	[tilespmem:s21], [sflag:$0x1] =	stream.indirect.gather [hbm4b:s3+s28], $0x80, s24, s28, $0xb8;
	[tilespmem:$0x18410] =	vst v63  }
0x64: {  	_ =	swait.ge [sflag:s26], $0x190  }
0x65: {  	[sflag:s26] =	ssyncset.done $0x0  }
0x66: {  	[sflag:s26] =	ssyncadd.s32 $0xFFFFFE70  }
0x67: {  	_ =	swait.ge [sflag:s26], $0x190  }
0x68: {  	[sflag:s26] =	ssyncset.done $0x0  }
0x69: {  	[sflag:s26] =	ssyncadd.s32 $0xFFFFFE70  }
0x6a: {  	_ =	swait.ge [sflag:s26], $0x190  }
0x6b: {  	[sflag:s26] =	ssyncset.done $0x0  }
0x6c: {  	[sflag:s26] =	ssyncadd.s32 $0xFFFFFE70  }
0x6d: {  	_ =	swait.ge [sflag:s26], $0xC800  }
0x6e: {  	[sflag:s26] =	ssyncset.done $0x0  }
0x6f: {  	s14 =	simm.s32 $0x0;
	[sflag:s26] =	ssyncadd.s32 $0xFFFF3800  }
0x70: {  	v2 =	vld [tilespmem:s14+$0xE00]  }
0x71: {  	v3 =	vld [tilespmem:s14+$0x0]  }
0x72: {  	v4 =	vld [tilespmem:s14+$0xA00]  }
0x73: {  	v5 =	vld [tilespmem:s14+$0xC00]  }
0x74: {  	s13 =	simm.s32 $0x10  }
0x75: {  	v6 =	vld [tilespmem:s13+$0xA00]  }
0x76: {  	v7 =	vld [tilespmem:s13+$0xC00];
	v2 =	vadd.f32 v2, v2;
	v3 =	vadd.s32 v0, v3  }
0x77: {  	v9 =	vld [tilespmem:s13+$0x0];
	v3 =	vmin.u32 v3, $0x1400  }
0x78: {  	s19 =	simm.s32 $0x20;
	v8 =	vld [tilespmem:s13+$0xE00];
	v4 =	vadd.f32 v5, v4;
	v2 =	vmul.f32 $1.442695020e+00, v2;
	[tilespmem:s14+$0x400] =	vst v3  }
0x79: {  	v5 =	vld [tilespmem:s19+$0xA00]  }
0x7a: {  	v4 =	vsub.f32 $0.0e+00, v4;
	(erf) = vpow2.f32 v2;
	v2 =	vld [tilespmem:s19+$0xC00]  }
0x7b: {  	[tilespmem:s14+$0x600] =	vst v3  }
0x7c: {  	v3 =	vadd.f32 v7, v6;
	v7 =	vadd.s32 v0, v9;
	v4 =	vmul.f32 $1.442695020e+00, v4;
	v6 =	vld [tilespmem:s19+$0xE00]  }
0x7d: {  	v8 =	vadd.f32 v8, v8;
	v7 =	vmin.u32 v7, $0x1400  }
0x7e: {  	s20 =	simm.s32 $0x30;
	v9 =	vld [tilespmem:s19+$0x0];
	v3 =	vsub.f32 $0.0e+00, v3;
	[tilespmem:s13+$0x400] =	vst v7;
	(erf) = vpow2.f32 v4  }
0x7f: {  	v4 =	vmul.f32 $1.442695020e+00, v8;
	v8 =	vld [tilespmem:s20+$0xA00];
	v2 =	vadd.f32 v2, v5  }
0x80: {  	v10 =	vld [tilespmem:s20+$0xC00];
	[tilespmem:s13+$0x600] =	vst v7;
	v3 =	vmul.f32 $1.442695020e+00, v3  }
0x81: {  	(erf) = vpow2.f32 v4;
	v7 =	vld [tilespmem:s20+$0x0];
	v4 =	vadd.f32 v6, v6;
	v2 =	vsub.f32 $0.0e+00, v2  }
0x82: {  	(erf) = vpow2.f32 v3;
	v3 =	vld [tilespmem:s20+$0xE00]  }
0x83: {  	v4 =	vmul.f32 $1.442695020e+00, v4;
	v6 =	vpop (erf);
	v2 =	vmul.f32 $1.442695020e+00, v2  }
0x84: {  	v5 =	vadd.s32 v0, v9;
	v6 =	vadd.f32 $1.000000000e+00, v6  }
0x85: {  	v5 =	vmin.u32 v5, $0x1400;
	(erf) = vpow2.f32 v4  }
0x86: {  	s15 =	simm.s32 $0x40;
	[tilespmem:s19+$0x400] =	vst v5;
	(erf) = vrcp.f32 v6  }
0x87: {  	v7 =	vadd.s32 v0, v7;
	v4 =	vld [tilespmem:s15+$0xA00];
	v3 =	vadd.f32 v3, v3;
	(erf) = vpow2.f32 v2;
	v2 =	vpop (erf)  }
0x88: {  	v6 =	vld [tilespmem:s15+$0xC00];
	[tilespmem:s19+$0x600] =	vst v5;
	v5 =	vadd.f32 v10, v8;
	v2 =	vadd.f32 $1.000000000e+00, v2  }
0x89: {  	v10 =	vmin.u32 v7, $0x1400;
	v8 =	vld [tilespmem:s15+$0xE00]  }
0x8a: {  	v9 =	vld [tilespmem:s15+$0x0];
	v3 =	vmul.f32 $1.442695020e+00, v3;
	v7 =	vpop (erf);
	v5 =	vsub.f32 $0.0e+00, v5;
	(erf) = vrcp.f32 v2  }
0x8b: {  	v2 =	vadd.f32 $1.000000000e+00, v7  }
0x8c: {  	[tilespmem:s20+$0x400] =	vst v10;
	v11 =	vpop (erf);
	v12 =	vmul.f32 $1.442695020e+00, v5;
	(erf) = vpow2.f32 v3  }
0x8d: {  	s23 =	simm.s32 $0x50;
	v7 =	vld [tilespmem:s14+$0x800];
	v11 =	vadd.f32 $1.000000000e+00, v11;
	(erf) = vrcp.f32 v2  }
0x8e: {  	v5 =	vld [tilespmem:s23+$0xC00];
	v4 =	vadd.f32 v6, v4;
	(erf) = vpow2.f32 v12  }
0x8f: {  	v3 =	vld [tilespmem:s23+$0xA00];
	[tilespmem:s20+$0x600] =	vst v10;
	v8 =	vadd.f32 v8, v8;
	v2 =	vadd.s32 v0, v9;
	v9 =	vpop (erf);
	(erf) = vrcp.f32 v11  }
0x90: {  	v6 =	vld [tilespmem:s23+$0xE00];
	v2 =	vmin.u32 v2, $0x1400;
	v10 =	vsub.f32 $0.0e+00, v4;
	v13 =	vpop (erf)  }
0x91: {  	s7 =	simm.s32 $0x180;
	v4 =	vld [tilespmem:s23+$0x0];
	v11 =	vmul.f32 $1.442695020e+00, v8;
	v8 =	vadd.f32 $1.000000000e+00, v9;
	v12 =	vpop (erf);
	v9 =	vadd.f32 v13, v13  }
.LBB2_5:
0x92: {  	s1 =	sshra.s32 s7, $0x2  }
0x93: {  	[tilespmem:s15+$0x400] =	vst v2;
	v10 =	vmul.f32 $1.442695020e+00, v10;
	(erf) = vpow2.f32 v11;
	v11 =	vadd.f32 $1.000000000e+00, v12;
	v13 =	vld [tilespmem:s13+$0x800];
	v12 =	vpop (erf);
	s2 =	smov.u32 s20;
	s20 =	smov.u32 s15;
	p0 =	sne.s32 s7, $0x600  }
.Ltmp1:
0x94: {  	s15 =	smov.u32 s23;
	(erf) = vrcp.f32 v8;
	v8 =	vsub.f32 $1.000000000e+00, v9;
	[tilespmem:s14+$0x1000] =	vst v12;
	v7 =	vmul.f32 v12, v7;
	v9 =	vmovc v3;
	v3 =	vld [tilespmem:s1+$0xA00];
	s23 =	smov.u32 s1;
	(pc) =	sbr.rel @p0 .LBB2_5-.Ltmp1, $4  }
0x95: {  	v15 =	vadd.f32 v5, v9;
	v5 =	vld [tilespmem:s23+$0xC00];
	v16 =	vadd.f32 v6, v6;
	[tilespmem:s20+$0x600] =	vst v2;
	(erf) = vpow2.f32 v10  }
0x96: {  	s7 =	sadd.s32 $0x40, s7;
	v6 =	vld [tilespmem:s23+$0xE00];
	v2 =	vadd.s32 v0, v4;
	v14 =	vpop (erf);
	(erf) = vrcp.f32 v11;
	v17 =	vmul.f32 v8, v7  }
0x97: {  	v4 =	vld [tilespmem:s23+$0x0];
	v2 =	vmin.u32 v2, $0x1400;
	v10 =	vsub.f32 $0.0e+00, v15;
	v11 =	vmul.f32 $1.442695020e+00, v16;
	v9 =	vpop (erf)  }
0x98: {  	v8 =	vadd.f32 $1.000000000e+00, v14;
	v12 =	vpop (erf);
	v9 =	vadd.f32 v9, v9;
	[tilespmem:s14+$0x1200] =	vst v17;
	v7 =	vmov v13;
	s14 =	smov.u32 s13;
	s13 =	smov.u32 s19;
	s19 =	smov.u32 s2  }
0x99: {  	_ = 	snop  }
0x9a: {  	v10 =	vmul.f32 $1.442695020e+00, v10;
	(erf) = vpow2.f32 v11  }
0x9b: {  	v11 =	vpop (erf);
	v3 =	vadd.f32 v5, v3;
	(erf) = vrcp.f32 v8;
	v5 =	vadd.f32 v6, v6  }
0x9c: {  	[tilespmem:s15+$0x400] =	vst v2;
	v8 =	vsub.f32 $1.000000000e+00, v9;
	v7 =	vmul.f32 v11, v7;
	v6 =	vadd.f32 $1.000000000e+00, v12  }
0x9d: {  	(erf) = vpow2.f32 v10;
	v10 =	vld [tilespmem:s13+$0x800];
	v9 =	vpop (erf);
	v3 =	vsub.f32 $0.0e+00, v3;
	v5 =	vmul.f32 $1.442695020e+00, v5  }
0x9e: {  	v4 =	vadd.s32 v0, v4;
	(erf) = vrcp.f32 v6;
	v6 =	vadd.f32 $1.000000000e+00, v9  }
0x9f: {  	[tilespmem:s14+$0x1000] =	vst v11;
	v9 =	vpop (erf);
	v3 =	vmul.f32 $1.442695020e+00, v3;
	(erf) = vpow2.f32 v5  }
0xa0: {  	[tilespmem:s15+$0x600] =	vst v2;
	v2 =	vadd.f32 v9, v9;
	v5 =	vmul.f32 v8, v7;
	v7 =	vpop (erf);
	(erf) = vrcp.f32 v6  }
0xa1: {  	v6 =	vadd.f32 $1.000000000e+00, v7;
	(erf) = vpow2.f32 v3;
	v3 =	vmin.u32 v4, $0x1400;
	v4 =	vpop (erf)  }
0xa2: {  	v2 =	vsub.f32 $1.000000000e+00, v2;
	[tilespmem:s14+$0x1200] =	vst v5;
	v5 =	vmul.f32 v4, v10  }
0xa3: {  	[tilespmem:s23+$0x400] =	vst v3  }
0xa4: {  	(erf) = vrcp.f32 v6;
	v7 =	vld [tilespmem:s19+$0x800];
	v2 =	vmul.f32 v2, v5  }
0xa5: {  	v6 =	vpop (erf)  }
0xa6: {  	[tilespmem:s13+$0x1000] =	vst v4;
	v4 =	vpop (erf)  }
0xa7: {  	[tilespmem:s23+$0x600] =	vst v3;
	v5 =	vadd.f32 $1.000000000e+00, v6;
	v3 =	vpop (erf)  }
0xa8: {  	[tilespmem:s13+$0x1200] =	vst v2;
	v3 =	vadd.f32 $1.000000000e+00, v3;
	v2 =	vpop (erf)  }
0xa9: {  	v4 =	vadd.f32 v4, v4;
	v6 =	vld [tilespmem:s20+$0x800];
	v7 =	vmul.f32 v2, v7  }
0xaa: {  	v8 =	vpop (erf)  }
0xab: {  	(erf) = vrcp.f32 v5;
	v4 =	vsub.f32 $1.000000000e+00, v4;
	v5 =	vpop (erf);
	v8 =	vadd.f32 $1.000000000e+00, v8  }
0xac: {  	(erf) = vrcp.f32 v3;
	v3 =	vpop (erf);
	v5 =	vadd.f32 v5, v5  }
0xad: {  	v4 =	vmul.f32 v4, v7;
	v3 =	vadd.f32 $1.000000000e+00, v3;
	(erf) = vrcp.f32 v8;
	v7 =	vpop (erf)  }
0xae: {  	[tilespmem:s19+$0x1000] =	vst v2;
	v2 =	vsub.f32 $1.000000000e+00, v5;
	v5 =	vmul.f32 v7, v6  }
0xaf: {  	(erf) = vrcp.f32 v3  }
0xb0: {  	v2 =	vmul.f32 v2, v5  }
0xb1: {  	[tilespmem:s19+$0x1200] =	vst v4  }
0xb2: {  	v3 =	vld [tilespmem:s15+$0x800];
	[tilespmem:s20+$0x1000] =	vst v7  }
0xb3: {  	[tilespmem:s20+$0x1200] =	vst v2  }
0xb4: {  	v4 =	vld [tilespmem:s23+$0x800];
	v2 =	vpop (erf)  }
0xb5: {  	v2 =	vadd.f32 v2, v2;
	v5 =	vpop (erf)  }
0xb6: {  	v6 =	vpop (erf)  }
0xb7: {  	v3 =	vmul.f32 v5, v3;
	v2 =	vsub.f32 $1.000000000e+00, v2;
	v6 =	vadd.f32 v6, v6  }
0xb8: {  	v7 =	vpop (erf)  }
0xb9: {  	v4 =	vmul.f32 v7, v4;
	v2 =	vmul.f32 v2, v3;
	v3 =	vsub.f32 $1.000000000e+00, v6  }
0xba: {  	[tilespmem:s15+$0x1000] =	vst v5  }
0xbb: {  	[tilespmem:s15+$0x1200] =	vst v2;
	v2 =	vmul.f32 v3, v4  }
0xbc: {  	[tilespmem:s23+$0x1000] =	vst v7  }
0xbd: {  	s1 =	simm.s32 $0x0;
	[tilespmem:s23+$0x1200] =	vst v2  }
0xbe: {  	v2 =	vld [tilespmem:s1+$0x600];
	_ =	sdelay $0x4  }
0xbf: {  	(v2sf) =	vpush v2, $0x0;
	_ =	sdelay $0xe  }
0xc0: {  	s23 =	spop (v2sf)  }
0xc1: {  	s14 =	simm.s32 $0x1440;
	p0 =	seq.s32 s23, $0x1400  }
0xc2: {  	v4 =	vld @!p0 [tilespmem:s14+$0x30]  }
0xc3: {  	v3 =	vld @!p0 [tilespmem:s14+$0x20]  }
0xc4: {  	s1 =	simm.s32 @!p0 $0x0;
	v7 =	vld @!p0 [tilespmem:s14+$0x0]  }
0xc5: {  	v2 =	vld.msk @!p0 [tilespmem:s1+$0x1200 ss:$0x0], $0xffff  }
0xc6: {  	v5 =	vld @!p0 [tilespmem:s14+$0xFFFFFFE0]  }
0xc7: {  	s13 =	simm.s32 $0x14C0;
	s19 =	simm.s32 $0x1;
	v6 =	vld @!p0 [tilespmem:s14+$0xFFFFFFF0]  }
0xc8: {  	s20 =	simm.s32 $0x8;
	s15 =	simm.s32 $0x4;
	s23 =	simm.s32 $0x14C0;
	v8 =	vld @!p0 [tilespmem:s14+$0x10]  }
.LBB2_7:
0xc9: {  	s23 =	sadd.s32 $0x80, s23;
	v9 =	vld @!p0 [tilespmem:s14+$0xFFFFFFD0];
	s7 =	smov.u32 s20;
	s20 =	sadd.s32 $0x4, s20  }
0xca: {  	p1 =	sne.s32 s20, $0x640;
	v10 =	vld @!p0 [tilespmem:s14+$0xFFFFFFC0];
	v7 =	vmul.f32 @!p0 v7, v2;
	_ =	sdelay $0x1  }
0xcb: {  	v4 =	vmul.f32 @!p0 v4, v2;
	[tilespmem:s14+$0x0] =	vst @!p0 v7  }
0xcc: {  	v3 =	vmul.f32 @!p0 v3, v2;
	v7 =	vmul.f32 @!p0 v8, v2  }
0xcd: {  	v5 =	vmul.f32 @!p0 v5, v2;
	v6 =	vmul.f32 @!p0 v6, v2;
	[tilespmem:s14+$0x30] =	vst @!p0 v4  }
0xce: {  	v4 =	vmul.f32 @!p0 v2, v10;
	v2 =	vmul.f32 @!p0 v9, v2;
	[tilespmem:s14+$0x10] =	vst @!p0 v7  }
0xcf: {  	[tilespmem:s14+$0xFFFFFFF0] =	vst @!p0 v6  }
0xd0: {  	[tilespmem:s14+$0xFFFFFFE0] =	vst @!p0 v5  }
0xd1: {  	s1 =	sshra.s32 s7, $0x2;
	[tilespmem:s14+$0xFFFFFFD0] =	vst @!p0 v2  }
0xd2: {  	[tilespmem:s14+$0x20] =	vst @!p0 v3  }
0xd3: {  	[tilespmem:s14+$0xFFFFFFC0] =	vst @!p0 v4;
	s14 =	smov.u32 s13;
	s13 =	smov.u32 s23  }
0xd4: {  	v2 =	vld [tilespmem:s19+$0x600];
	s19 =	smov.u32 s1;
	_ =	sdelay $0x4  }
0xd5: {  	(v2sf) =	vpush v2, $0x0;
	_ =	sdelay $0xe  }
0xd6: {  	s1 =	spop (v2sf)  }
0xd7: {  	p0 =	seq.s32 s1, $0x1400  }
0xd8: {  	s1 =	sshra.s32 @!p0 s15, $0x2;
	v4 =	vld @!p0 [tilespmem:s14+$0x30];
	s15 =	smov.u32 s7  }
0xd9: {  	v2 =	vld.msk @!p0 [tilespmem:s1+$0x1200 ss:$0x0], $0xffff  }
.Ltmp2:
0xda: {  	v3 =	vld @!p0 [tilespmem:s14+$0x20];
	(pc) =	sbr.rel @p1 .LBB2_7-.Ltmp2, $4  }
0xdb: {  	v7 =	vld @!p0 [tilespmem:s14+$0x0]  }
0xdc: {  	v5 =	vld @!p0 [tilespmem:s14+$0xFFFFFFE0]  }
0xdd: {  	v6 =	vld @!p0 [tilespmem:s14+$0xFFFFFFF0]  }
0xde: {  	v8 =	vld @!p0 [tilespmem:s14+$0x10]  }
0xdf: {  	v4 =	vmul.f32 @!p0 v4, v2  }
0xe0: {  	v9 =	vld @!p0 [tilespmem:s14+$0xFFFFFFD0];
	v3 =	vmul.f32 @!p0 v3, v2  }
0xe1: {  	v10 =	vld @!p0 [tilespmem:s14+$0xFFFFFFC0];
	v7 =	vmul.f32 @!p0 v7, v2;
	[tilespmem:s14+$0x30] =	vst @!p0 v4  }
0xe2: {  	v4 =	vmul.f32 @!p0 v5, v2;
	[tilespmem:s14+$0x20] =	vst @!p0 v3  }
0xe3: {  	[tilespmem:s14+$0x0] =	vst @!p0 v7;
	v6 =	vmul.f32 @!p0 v6, v2  }
0xe4: {  	v7 =	vmul.f32 @!p0 v8, v2;
	[tilespmem:s14+$0xFFFFFFE0] =	vst @!p0 v4  }
0xe5: {  	v5 =	vmul.f32 @!p0 v9, v2;
	[tilespmem:s14+$0xFFFFFFF0] =	vst @!p0 v6  }
0xe6: {  	v2 =	vmul.f32 @!p0 v2, v10;
	[tilespmem:s14+$0x10] =	vst @!p0 v7  }
0xe7: {  	[tilespmem:s14+$0xFFFFFFD0] =	vst @!p0 v5  }
0xe8: {  	[tilespmem:s14+$0xFFFFFFC0] =	vst @!p0 v2  }
0xe9: {  	v2 =	vld [tilespmem:s19+$0x600];
	_ =	sdelay $0x4  }
0xea: {  	(v2sf) =	vpush v2, $0x0;
	_ =	sdelay $0xe  }
0xeb: {  	s1 =	spop (v2sf)  }
0xec: {  	p0 =	seq.s32 s1, $0x1400  }
0xed: {  	s1 =	sshra.s32 @!p0 s15, $0x2;
	v3 =	vld @!p0 [tilespmem:s13+$0x0]  }
0xee: {  	v2 =	vld.msk @!p0 [tilespmem:s1+$0x1200 ss:$0x0], $0xffff  }
0xef: {  	v4 =	vld @!p0 [tilespmem:s13+$0x30]  }
0xf0: {  	v5 =	vld @!p0 [tilespmem:s13+$0x10]  }
0xf1: {  	v6 =	vld @!p0 [tilespmem:s13+$0xFFFFFFF0]  }
0xf2: {  	v7 =	vld @!p0 [tilespmem:s13+$0xFFFFFFE0]  }
0xf3: {  	v8 =	vld @!p0 [tilespmem:s13+$0xFFFFFFD0];
	v3 =	vmul.f32 @!p0 v3, v2  }
0xf4: {  	v9 =	vld @!p0 [tilespmem:s13+$0x20];
	v4 =	vmul.f32 @!p0 v4, v2  }
0xf5: {  	v10 =	vld @!p0 [tilespmem:s13+$0xFFFFFFC0];
	[tilespmem:s13+$0x0] =	vst @!p0 v3;
	v3 =	vmul.f32 @!p0 v5, v2  }
0xf6: {  	v5 =	vmul.f32 @!p0 v6, v2;
	[tilespmem:s13+$0x30] =	vst @!p0 v4  }
0xf7: {  	v4 =	vmul.f32 @!p0 v7, v2;
	[tilespmem:s13+$0x10] =	vst @!p0 v3  }
0xf8: {  	v3 =	vmul.f32 @!p0 v8, v2;
	[tilespmem:s13+$0xFFFFFFF0] =	vst @!p0 v5  }
0xf9: {  	v5 =	vmul.f32 @!p0 v9, v2;
	[tilespmem:s13+$0xFFFFFFE0] =	vst @!p0 v4  }
0xfa: {  	v2 =	vmul.f32 @!p0 v2, v10;
	[tilespmem:s13+$0xFFFFFFD0] =	vst @!p0 v3  }
0xfb: {  	[tilespmem:s13+$0x20] =	vst @!p0 v5  }
0xfc: {  	[tilespmem:s13+$0xFFFFFFC0] =	vst @!p0 v2  }
0xfd: {  	[spmem:s4] =	stream.indirect.scatter.add.f32 [tilespmem:s21], [sflag:$0x2], $0x80, s0, s28, $0xb8;
	[tilespmem:$0x18410] =	vst v63  }
0xfe: {  	_ =	swait.ge [sflag:s22], $0xC800  }
0xff: {  	[sflag:s22] =	ssyncset.done $0x0  }
0x100: {  	[sflag:s22] =	ssyncadd.s32 $0xFFFF3800  }
0x101: {  	[spmem:s6] =	stream.indirect.scatter.add.f32 [tilespmem:s12], [sflag:$0x2], $0x1, s0, s28, $0xb8;
	[tilespmem:$0x18410] =	vst v63  }
0x102: {  	s18 =	sadd.s32 $0x1, s18;
	_ =	swait.ge [sflag:s22], $0x190  }
0x103: {  	p0 =	sne.s32 s18, $0x19;
	[sflag:s22] =	ssyncset.done $0x0  }
.Ltmp3:
0x104: {  	[sflag:s22] =	ssyncadd.s32 $0xFFFFFE70;
	(pc) =	sbr.rel @p0 .LBB2_4-.Ltmp3, $4  }
0x105: {  	[spmem:s5] =	stream.indirect.scatter.add.f32 [tilespmem:s25], [sflag:$0x2], $0x1, s0, s28, $0xb8;
	[tilespmem:$0x18410] =	vst v63  }
0x106: {  	_ =	swait.ge [sflag:s22], $0x190  }
0x107: {  	[sflag:s22] =	ssyncset.done $0x0  }
0x108: {  	[sflag:s22] =	ssyncadd.s32 $0xFFFFFE70  }
0x109: {  	s1 =	stileid.u32;
	[bflag:$0x0] =	sbarrier.arrive $0xFFFF  }
0x10a: {  	s1 =	sshll.u32 s1, $0x6;
	s18 =	rddreg [dreg:$0x8]  }
0x10b: {  	s7 =	rddreg [dreg:$0xc];
	s1 =	sor.u32 $0x1C02, s1;
	s2 =	sshrl.u32 s18, $0x3  }
0x10c: {  	[hbm:s7], [sflag:s1] =	dma.local [spmem:s2], $0x1480  }
0x10d: {  	_ =	swait.ge [sflag:s22], $0x1480  }
0x10e: {  	[sflag:s22] =	ssyncset.done $0x0  }
0x10f: {  	s14 =	simm.s32 $0xDC00;
	s2 =	rddreg [dreg:$0x9];
	[sflag:s22] =	ssyncadd.s32 $0xFFFFEB80  }
0x110: {  	[tilespmem:s14], [sflag:$0x2] =	stream.linear.gather [spmem:s2], $0x148, $0x38;
	[tilespmem:$0x18410] =	vst v63  }
0x111: {  	_ =	swait.ge [sflag:s22], $0x148  }
0x112: {  	[sflag:s22] =	ssyncset.done $0x0  }
0x113: {  	s23 =	simm.s32 $0x0;
	s13 =	rddreg [dreg:$0xd];
	[sflag:s22] =	ssyncadd.s32 $0xFFFFFEB8  }
0x114: {  	[hbm4b:s13+s23] =	stream.linear.scatter [tilespmem:s14], [sflag:$0x2], $0x148, $0x38;
	[tilespmem:$0x18410] =	vst v63  }
0x115: {  	_ =	swait.ge [sflag:s22], $0x148  }
0x116: {  	[sflag:s22] =	ssyncset.done $0x0  }
0x117: {  	s15 =	rddreg [dreg:$0xa];
	[sflag:s22] =	ssyncadd.s32 $0xFFFFFEB8  }
0x118: {  	[tilespmem:s14], [sflag:$0x2] =	stream.linear.gather [spmem:s15], $0x148, $0x38;
	[tilespmem:$0x18410] =	vst v63  }
0x119: {  	_ =	swait.ge [sflag:s22], $0x148  }
0x11a: {  	[sflag:s22] =	ssyncset.done $0x0  }
0x11b: {  	s19 =	rddreg [dreg:$0xe];
	[sflag:s22] =	ssyncadd.s32 $0xFFFFFEB8  }
0x11c: {  	[hbm4b:s19+s23] =	stream.linear.scatter [tilespmem:s14], [sflag:$0x2], $0x148, $0x38;
	[tilespmem:$0x18410] =	vst v63  }
0x11d: {  	_ =	swait.ge [sflag:s22], $0x148  }
0x11e: {  	s20 =	rddreg [dreg:$0xf]  }
0x11f: {  	s23 =	rddreg [dreg:$0xb];
	s7 =	sadd.s32 $0x1, s20  }
0x120: {  	p0 =	sne.s32 s7, s23  }
.Ltmp4:
0x121: {  	_ = 	snop;
	(pc) =	sbr.rel @p0 .LBB2_1-.Ltmp4, $3  }
0x122: {  	_ =	sdelay $0x1  }
0x123: {  	[sflag:s22] =	ssyncset.done $0x0  }
0x124: {  	[sflag:s22] =	ssyncadd.s32 $0xFFFFFEB8  }
0x125: {  	_ =	sfence.sel $0x180000  }
0x126: {  	[bflag:$0x0] =	sbarrier.arrive $0xFFFF  }
0x127: {  	_ =	strace $0x9000004A  }
0x128: {  	s0 =	stileid.u32;
	[bflag:$0x2] =	sbarrier.arrive $0xFFFF  }
0x129: {  	p0 =	sne.s32 s0, $0x0;
	s0 =	rddreg [dreg:$0x7]  }
0x12a: {  	s0 =	sadd.s32 @!p0 $0x100000, s0  }
0x12b: {  	[sflag:s0] =	ssyncadd.tile.s32 @!p0 $0x1;
	_ =	shalt  }
.Lfunc_end2:
_tile_overlayer_lowered:
.L_overlay_start_2:
0x12c: {  	(tag) =	ssettag $0x2  }
0x12d: {  	s0 =	rddreg [dreg:$0x0];
	s2 =	stileid.u32  }
0x12e: {  	s1 =	rddreg [dreg:$0x1];
	p0 =	sne.s32 s2, $0x0  }
0x12f: {  	s3 =	rddreg [dreg:$0x2];
	[bflag:$0x3] =	sbarrier.arrive $0xFFFF;
	s2 =	simm.s32 @!p0 $0x1C02  }
0x130: {  	[timem:s3], [sflag:s2] =	dma.local @!p0 [hbm:s0], s1  }
0x131: {  	s0 =	simm.s32 @!p0 $0x2  }
0x132: {  	_ =	swait.ge @!p0 [sflag:s0], s1  }
0x133: {  	s1 =	ssub.s32 @!p0 $0x0, s1;
	[sflag:s0] =	ssyncset.done @!p0 $0x0  }
0x134: {  	[sflag:s0] =	ssyncadd.s32 @!p0 s1  }
0x135: {  	[bflag:$0x3] =	sbarrier.arrive $0xFFFF  }
0x136: {  	_ =	shalt  }

// kernel: kernel.9.cloned.1.call-start
scs
__scs_entry_jumppad:
0x0: {  	(pc) =	sbr.rel $0x88, $3  }
0x1: {  	(tag) =	ssettag $0x0;
	lr =	simm.s32 $0x1  }
0x2: {  	[smem:$0x3F96] =	sst lr;
	_ =	strace $0xD0000000  }
0x3: {  	_ = 	snop  }
0x4: {  	_ = 	snop  }
0x5: {  	_ = 	snop  }
0x6: {  	_ = 	snop  }
0x7: {  	_ = 	snop  }
__scs_overlays_trampoline_lowered:
0x8: {  	[smem:$0x3FA5] =	sst s0  }
0x9: {  	[smem:$0x3FA6] =	sst s1  }
0xa: {  	[smem:$0x3FA7] =	sst s2  }
0xb: {  	[smem:$0x3FA8] =	sst s3  }
0xc: {  	[smem:$0x3FA9] =	sst s4  }
0xd: {  	[smem:$0x3FAA] =	sst s5  }
0xe: {  	[smem:$0x3FAB] =	sst s6  }
0xf: {  	[smem:$0x3FAC] =	sst s7  }
0x10: {  	[smem:$0x3FAD] =	sst s8  }
0x11: {  	[smem:$0x3FAE] =	sst s9;
	s0 =	simm.s32 @!p0 $0x0  }
0x12: {  	s1 =	sld [smem:$0x3F94];
	s0 =	simm.s32 @p0 $0x1  }
0x13: {  	[smem:$0x3FAF] =	sst s0;
	s0 =	simm.s32 @!p1 $0x0  }
0x14: {  	s2 =	sld [smem:$0x3F93];
	s0 =	simm.s32 @p1 $0x1  }
0x15: {  	[smem:$0x3FB0] =	sst s0;
	s0 =	simm.s32 @!p2 $0x0  }
0x16: {  	s3 =	sld [smem:$0x3FDB];
	s0 =	simm.s32 @p2 $0x1  }
0x17: {  	s4 =	simm.s32 $0x1BF5;
	[smem:$0x3FB2] =	sst s0  }
0x18: {  	s0 =	sld [smem:$0x3F95];
	_ =	swait.ge [sflag:s4], $0x0  }
0x19: {  	s7 =	sld [smem:$0x3F96]  }
0x1a: {  	s8 =	sadd.s32 $0xFFFFE003, lr  }
0x1b: {  	s9 =	sadd.s32 $0xFFFFFEF7, lr;
	s5 =	simm.s32 $0xFFFFFFFF;
	p2 =	slt.u32 s8, $0xFFFFF086  }
0x1c: {  	p1 =	slt.u32 s9, $0xF7A;
	s5 =	simm.s32 @!p2 $0x0  }
0x1d: {  	s5 =	simm.s32 @p1 $0x1;
	p0 =	seq.s32 s7, s2  }
0x1e: {  	s7 =	smul.u32 @!p0 $0xF7A, s2;
	p2 =	seq.s32 @!p0 s5, $0x0  }
0x1f: {  	s9 =	smul.u32 $0xF7A, s1;
	s8 =	simm.s32 @!p0 $0x1BF5;
	p2 =	por !p2, p0  }
0x20: {  	[sflag:s8] =	ssyncset.s32 @!p0 $0xFFFFF086;
	s6 =	sadd.s32 @!p0 s3, s7;
	s7 =	simm.s32 @!p0 $0x108  }
0x21: {  	s3 =	sadd.s32 s3, s9;
	s6 =	sadd.s32 @!p0 $0x88, s6;
	s7 =	simm.s32 @p2 $0x1082  }
0x22: {  	[simem:s7], [sflag:s8] =	dma.local @!p0 [hbm:s6], $0xF7A  }
0x23: {  	s9 =	sor.u32 $0xD0000000, s2;
	s6 =	simm.s32 $0x108;
	_ =	swait.ge @!p0 [sflag:s8], $0x0  }
0x24: {  	s3 =	sadd.s32 $0x88, s3;
	s6 =	simm.s32 @!p1 $0x1082;
	[sflag:s4] =	ssyncset.s32 $0xFFFFF086  }
0x25: {  	[simem:s6], [sflag:s4] =	dma.local [hbm:s3], $0xF7A  }
0x26: {  	[smem:$0x3F96] =	sst s1;
	(tag) =	ssettag s2;
	_ =	strace s9  }
0x27: {  	s1 =	sld [smem:$0x3FA6]  }
0x28: {  	s2 =	sld [smem:$0x3FA7]  }
0x29: {  	s4 =	sld [smem:$0x3FA9]  }
0x2a: {  	p0 =	seq.s32 s5, $0x0;
	s5 =	sld [smem:$0x3FAA]  }
0x2b: {  	s6 =	sld [smem:$0x3FAB]  }
0x2c: {  	s7 =	sld [smem:$0x3FAC]  }
0x2d: {  	s3 =	simm.s32 $0x108;
	s8 =	sld [smem:$0x3FAD]  }
0x2e: {  	s3 =	simm.s32 @!p0 $0x1082;
	s9 =	sld [smem:$0x3FAE]  }
0x2f: {  	lr =	sadd.s32 s0, s3;
	s0 =	sld [smem:$0x3FA5]  }
0x30: {  	s3 =	sld [smem:$0x3FA8]  }
0x31: {  	[smem:$0x3FB1] =	sst s10  }
0x32: {  	s10 =	sld [smem:$0x3FAF];
	_ =	sdelay $0x3  }
0x33: {  	p0 =	seq.s32 s10, $0x1;
	s10 =	sld [smem:$0x3FB1];
	_ =	sdelay $0x3  }
0x34: {  	[smem:$0x3FB1] =	sst s10  }
0x35: {  	s10 =	sld [smem:$0x3FB0];
	_ =	sdelay $0x3  }
0x36: {  	p1 =	seq.s32 s10, $0x1;
	s10 =	sld [smem:$0x3FB1];
	_ =	sdelay $0x3  }
0x37: {  	[smem:$0x3FB1] =	sst s10  }
0x38: {  	s10 =	sld [smem:$0x3FB2]  }
0x39: {  	_ = 	snop;
	(pc) =	sbr.ind lr, $3  }
0x3a: {  	_ = 	snop  }
0x3b: {  	_ = 	snop  }
0x3c: {  	p2 =	seq.s32 s10, $0x1;
	s10 =	sld [smem:$0x3FB1]  }
0x3d: {  	_ =	shalt  }
0x3e: {  	_ =	shalt  }
0x3f: {  	_ =	shalt  }
0x40: {  	_ =	shalt  }
0x41: {  	_ =	shalt  }
0x42: {  	_ =	shalt  }
0x43: {  	_ =	shalt  }
0x44: {  	_ =	shalt  }
0x45: {  	_ =	shalt  }
0x46: {  	_ =	shalt  }
0x47: {  	_ =	shalt  }
0x48: {  	_ =	shalt  }
0x49: {  	_ =	shalt  }
0x4a: {  	_ =	shalt  }
0x4b: {  	_ =	shalt  }
0x4c: {  	_ =	shalt  }
0x4d: {  	_ =	shalt  }
0x4e: {  	_ =	shalt  }
0x4f: {  	_ =	shalt  }
0x50: {  	_ =	shalt  }
0x51: {  	_ =	shalt  }
0x52: {  	_ =	shalt  }
0x53: {  	_ =	shalt  }
0x54: {  	_ =	shalt  }
0x55: {  	_ =	shalt  }
0x56: {  	_ =	shalt  }
0x57: {  	_ =	shalt  }
0x58: {  	_ =	shalt  }
0x59: {  	_ =	shalt  }
0x5a: {  	_ =	shalt  }
0x5b: {  	_ =	shalt  }
0x5c: {  	_ =	shalt  }
0x5d: {  	_ =	shalt  }
0x5e: {  	_ =	shalt  }
0x5f: {  	_ =	shalt  }
0x60: {  	_ =	shalt  }
0x61: {  	_ =	shalt  }
0x62: {  	_ =	shalt  }
0x63: {  	_ =	shalt  }
0x64: {  	_ =	shalt  }
0x65: {  	_ =	shalt  }
0x66: {  	_ =	shalt  }
0x67: {  	_ =	shalt  }
0x68: {  	_ =	shalt  }
0x69: {  	_ =	shalt  }
0x6a: {  	_ =	shalt  }
0x6b: {  	_ =	shalt  }
0x6c: {  	_ =	shalt  }
0x6d: {  	_ =	shalt  }
0x6e: {  	_ =	shalt  }
0x6f: {  	_ =	shalt  }
0x70: {  	_ =	shalt  }
0x71: {  	_ =	shalt  }
0x72: {  	_ =	shalt  }
0x73: {  	_ =	shalt  }
0x74: {  	_ =	shalt  }
0x75: {  	_ =	shalt  }
0x76: {  	_ =	shalt  }
0x77: {  	_ =	shalt  }
0x78: {  	_ =	shalt  }
0x79: {  	_ =	shalt  }
0x7a: {  	_ =	shalt  }
0x7b: {  	_ =	shalt  }
0x7c: {  	_ =	shalt  }
0x7d: {  	_ =	shalt  }
0x7e: {  	_ =	shalt  }
0x7f: {  	_ =	shalt  }
0x80: {  	_ =	shalt  }
0x81: {  	_ =	shalt  }
0x82: {  	_ =	shalt  }
0x83: {  	_ =	shalt  }
0x84: {  	_ =	shalt  }
0x85: {  	_ =	shalt  }
0x86: {  	_ =	shalt  }
0x87: {  	_ =	shalt  }
.Lfunc_end0:
.L_simem_size_0:
called_computation.1_lowered:
.L_overlay_start_0:
0x88: {  	s2 =	sld [smem:$0x3FD9]  }
0x89: {  	s3 =	sld [smem:$0x3FFE];
	_ =	sdelay $0x1  }
0x8a: {  	s1 =	srdreg.scid  }
0x8b: {  	s0 =	sand.u32 $0x1, s1  }
0x8c: {  	s17 =	sshll.u32 s0, $0xA;
	s2 =	sadd.s32 s3, s2  }
0x8d: {  	s2 =	sadd.s32 s2, s17  }
0x8e: {  	[smem:$0x3FBD] =	sst s2  }
0x8f: {  	_ = 	snop  }
0x90: {  	s2 =	sld [smem:$0x3FC7]  }
0x91: {  	s18 =	sld [smem:$0x3FC5];
	(tm) =	ssettm $0x1  }
0x92: {  	s4 =	sld [smem:$0x3FFB];
	_ =	sdelay $0x3  }
0x93: {  	_ =	strace s4  }
0x94: {  	s4 =	sld [smem:$0x3FFC];
	_ =	sdelay $0x3  }
0x95: {  	_ =	strace s4  }
0x96: {  	s4 =	sld [smem:$0x3FFD];
	_ =	sdelay $0x3  }
0x97: {  	_ =	strace s4  }
0x98: {  	_ =	strace $0x8FFFFFFF  }
0x99: {  	s19 =	sld [smem:$0x3FDB];
	_ =	sdelay $0x1  }
0x9a: {  	s5 =	simm.s32 $_scs_section_size  }
0x9b: {  	s6 =	simm.s32 $_size__tile_overlayer_lowered;
	s7 =	simm.s32 $_tile_overlayer_lowered  }
0x9c: {  	s22 =	simm.s32 $0x1BFF;
	s21 =	sshll.u32 s7, $0x1;
	s4 =	sadd.s32 s5, s19  }
0x9d: {  	s8 =	simm.s32 $0x0;
	s20 =	sshll.u32 s6, $0x1;
	s6 =	sadd.s32 s21, s4  }
0x9e: {  	[timem:s8], [sflag:s22] =	dma.local [hbm:s6], s20  }
0x9f: {  	_ =	swait.ge [sflag:s22], s20  }
0xa0: {  	s5 =	ssub.s32 $0x0, s20;
	[sflag:s22] =	ssyncset.done $0x0  }
0xa1: {  	[sflag:s22] =	ssyncadd.s32 s5;
	_ =	sdelay $0x1  }
0xa2: {  	s23 =	simm.s32 $0x1B8B  }
0xa3: {  	_ =	swait.ge [sflag:s23], $0x1  }
0xa4: {  	[sflag:s23] =	ssyncset.done $0x0  }
0xa5: {  	s25 =	simm.s32 $0x1B8E;
	s24 =	sld [smem:$0x3FFE];
	[sflag:s23] =	ssyncadd.s32 $0xFFFFFFFF  }
0xa6: {  	s26 =	simm.s32 $execute0_lowered;
	[smem:$0x3FD2] =	sst s25  }
0xa7: {  	s6 =	sshll.u32 s26, $0x1;
	_ =	strace $0x80000046;
	[dreg:$0x1] =	wrdreg $0xFFFFFFFF  }
0xa8: {  	s28 =	simm.s32 $_size_execute0_lowered;
	s4 =	sadd.s32 s4, s6;
	[dreg:$0x0] =	wrdreg $0x0  }
0xa9: {  	s6 =	sshll.u32 s28, $0x1;
	[dreg:$0x2] =	wrdreg s4  }
0xaa: {  	[dreg:$0x3] =	wrdreg s6  }
0xab: {  	[dreg:$0x4] =	wrdreg $0xC0  }
0xac: {  	_ =	task [dreg:s8], $0x5FFFF  }
0xad: {  	[dreg:$0x1] =	wrdreg $0xFFFFFFFF  }
0xae: {  	[dreg:$0x0] =	wrdreg $0x60  }
0xaf: {  	[dreg:$0x2] =	wrdreg s24  }
0xb0: {  	[dreg:$0x3] =	wrdreg s2  }
0xb1: {  	[dreg:$0x4] =	wrdreg s18  }
0xb2: {  	[dreg:$0x5] =	wrdreg $0xDC000  }
0xb3: {  	[dreg:$0x6] =	wrdreg $0xA  }
0xb4: {  	_ =	task.clear_ibuf [dreg:s8], $0x7FFFF;
	_ =	strace $0x90000046  }
0xb5: {  	s29 =	simm.s32 $0xA;
	_ =	strace $0x80000048  }
0xb6: {  	_ =	swait.ge [sflag:s29], $0x1  }
0xb7: {  	[sflag:s29] =	ssyncadd.s32 $0xFFFFFFFF  }
0xb8: {  	_ =	strace $0x90000048  }
0xb9: {  	_ =	sfence  }
0xba: {  	s30 =	sld [smem:$0x0];
	_ =	sdelay $0x2  }
0xbb: {  	s31 =	sshll.u32 s1, $0xD;
	s1 =	sshrl.u32 s1, $0x2  }
0xbc: {  	s3 =	sand.u32 $0x4000, s31;
	s1 =	sadd.s32 s1, s30  }
0xbd: {  	s0 =	sor.u32 s3, s0;
	s1 =	sshll.u32 s1, $0x11  }
0xbe: {  	s0 =	sor.u32 s1, s0  }
0xbf: {  	s0 =	sadd.s32 $0x8F2B, s0  }
0xc0: {  	[sflag:s0] =	ssyncadd.remote.s32 $0x1  }
0xc1: {  	_ =	sfence.sel $0xFFFF  }
0xc2: {  	[dreg:$0x0] =	wrdreg $0xFFFFFFFF;
	(pc) =	sbr.abs _section_cstart, $3  }
0xc3: {  	[dreg:$0x1] =	wrdreg $0xFFFFFFFF  }
0xc4: {  	_ =	task.clear_ibuf [dreg:s8], $0x2FFFF;
	_ =	strace $0x9FFFFFFF  }
0xc5: {  	(tm) =	ssettm $0x7FFFFFFF  }
tec
execute0_lowered:
.L_overlay_start_1:
0x0: {  	(tag) =	ssettag $0x1  }
0x1: {  	s0 =	rddreg [dreg:$0x0]  }
0x2: {  	s1 =	rddreg [dreg:$0x1]  }
0x3: {  	s2 =	rddreg [dreg:$0x2]  }
0x4: {  	s3 =	rddreg [dreg:$0x3];
	s4 =	simm.s32 $0x0  }
0x5: {  	s6 =	srdreg.scid;
	s15 =	stileid.u32;
	s16 =	simm.s32 $0x2  }
0x6: {  	s17 =	simm.s32 $0x200;
	s18 =	simm.s32 $0x800;
	s19 =	simm.s32 $0x1  }
0x7: {  	s20 =	simm.s32 $0x190;
	s21 =	simm.s32 $0xA00;
	s23 =	simm.s32 $0xE00  }
0x8: {  	s24 =	simm.s32 $0x400;
	s25 =	simm.s32 $0x0;
	[smem:$0x7FF] =	sst s4  }
0x9: {  	s5 =	sadd.s32 $0x6E00, s0;
	s6 =	sand.u32 $0x1, s6;
	s7 =	sadd.s32 $0x1E00, s0  }
0xa: {  	s8 =	sadd.s32 $0x33600, s0;
	s9 =	sadd.s32 $0x33000, s0;
	s30 =	smul.u32 $0x29000, s15  }
0xb: {  	s10 =	sadd.s32 $0xBE00, s0;
	s11 =	ssub.s32 $0x2, s6;
	s22 =	smul.u32 $0xFFFFEC00, s6  }
0xc: {  	p0 =	seq.s32 s6, $0x1;
	s6 =	simm.s32 $0x48400;
	s12 =	sshrl.u32 s11, $0x1  }
0xd: {  	s14 =	smul.u32 $0x1480, s15;
	s6 =	simm.s32 @!p0 $0x33C00;
	s13 =	ssub.s32 s11, s12  }
0xe: {  	_ =	strace $0x80000047;
	s0 =	sadd.s32 s6, s0;
	s31 =	smax.u32 s13, $0x1  }
0xf: {  	s11 =	sshrl.u32 s30, $0x2;
	s0 =	sadd.s32 s0, s14;
	[dreg:$0x6] =	wrdreg s31  }
0x10: {  	s12 =	smul.u32 $0x2710, s15;
	s11 =	sadd.s32 s11, s3;
	[dreg:$0x7] =	wrdreg s0  }
0x11: {  	v1 =	vimm.f32 $0.0e+00;
	s15 =	simm.s32 $0x1400;
	v0 =	vmov s22;
	s22 =	simm.s32 $0xC00;
	[dreg:$0x5] =	wrdreg s11  }
.LBB2_1:
0x12: {  	s0 =	simm.s32 $0x0;
	s6 =	simm.s32 $0x200  }
.LBB2_2:
0x13: {  	p0 =	sne.s32 s6, $0x28E00;
	[tilespmem:s0+$0x1470] =	vst v1  }
0x14: {  	[tilespmem:s0+$0x1400] =	vst v1  }
0x15: {  	[tilespmem:s0+$0x1410] =	vst v1  }
.Ltmp0:
0x16: {  	[tilespmem:s0+$0x1420] =	vst v1;
	(pc) =	sbr.rel @p0 .LBB2_2-.Ltmp0, $4  }
0x17: {  	[tilespmem:s0+$0x1430] =	vst v1  }
0x18: {  	[tilespmem:s0+$0x1440] =	vst v1  }
0x19: {  	[tilespmem:s0+$0x1450] =	vst v1  }
0x1a: {  	[tilespmem:s0+$0x1460] =	vst v1;
	s0 =	sshra.s32 s6, $0x2;
	s6 =	sadd.s32 $0x200, s6  }
0x1b: {  	[tilespmem:s0+$0x1470] =	vst v1  }
0x1c: {  	[tilespmem:s0+$0x1400] =	vst v1  }
0x1d: {  	[tilespmem:s0+$0x1410] =	vst v1  }
0x1e: {  	[tilespmem:s0+$0x1420] =	vst v1  }
0x1f: {  	[tilespmem:s0+$0x1430] =	vst v1  }
0x20: {  	[tilespmem:s0+$0x1440] =	vst v1  }
0x21: {  	[tilespmem:s0+$0x1450] =	vst v1  }
0x22: {  	[tilespmem:s0+$0x1460] =	vst v1  }
0x23: {  	[spmem:s11] =	stream.linear.scatter [tilespmem:s15], [sflag:$0x2], $0xA400, $0x38;
	[tilespmem:$0x18000] =	vst v63  }
0x24: {  	_ =	swait.ge [sflag:s16], $0xA400  }
0x25: {  	[sflag:s16] =	ssyncset.done $0x0  }
0x26: {  	[sflag:s16] =	ssyncadd.s32 $0xFFFF5C00  }
0x27: {  	s26 =	simm.s32 $0x0;
	[bflag:$0x0] =	sbarrier.arrive $0xFFFF  }
.LBB2_4:
0x28: {  	s0 =	smul.u32 $0x190, s26;
	_ =	sdelay $0x1  }
0x29: {  	s0 =	sadd.s32 s12, s0  }
0x2a: {  	s0 =	sshrl.u32 s0, $0x3  }
0x2b: {  	s6 =	sadd.s32 s5, s0  }
0x2c: {  	[tilespmem:s25], [sflag:$0x1] =	stream.linear.gather [hbm4b:s6+s25], $0x190, $0x38;
	[tilespmem:$0x18000] =	vst v63  }
0x2d: {  	s14 =	sadd.s32 s7, s0  }
0x2e: {  	[tilespmem:s17], [sflag:$0x1] =	stream.linear.gather [hbm4b:s14+s25], $0x190, $0x38;
	[tilespmem:$0x18000] =	vst v63  }
0x2f: {  	s0 =	sadd.s32 s1, s0  }
0x30: {  	[tilespmem:s18], [sflag:$0x1] =	stream.linear.gather [hbm4b:s0+s25], $0x190, $0x38;
	[tilespmem:$0x18000] =	vst v63  }
0x31: {  	_ =	swait.ge [sflag:s19], $0x190  }
0x32: {  	[sflag:s19] =	ssyncset.done $0x0  }
0x33: {  	[sflag:s19] =	ssyncadd.s32 $0xFFFFFE70  }
0x34: {  	_ =	swait.ge [sflag:s19], $0x190  }
0x35: {  	[sflag:s19] =	ssyncset.done $0x0  }
0x36: {  	[sflag:s19] =	ssyncadd.s32 $0xFFFFFE70  }
0x37: {  	_ =	swait.ge [sflag:s19], $0x190  }
0x38: {  	[sflag:s19] =	ssyncset.done $0x0  }
0x39: {  	[sflag:s19] =	ssyncadd.s32 $0xFFFFFE70  }
0x3a: {  	[tilespmem:s21], [sflag:$0x1] =	stream.indirect.gather [hbm4b:s8+s20], $0x1, s25, s20, $0xb8;
	[tilespmem:$0x18000] =	vst v63  }
0x3b: {  	_ = 	snop  }
0x3c: {  	[tilespmem:s22], [sflag:$0x1] =	stream.indirect.gather [hbm4b:s9+s20], $0x1, s17, s20, $0xb8;
	[tilespmem:$0x18000] =	vst v63  }
0x3d: {  	_ = 	snop  }
0x3e: {  	[tilespmem:s23], [sflag:$0x1] =	stream.indirect.gather [hbm4b:s2+s20], $0x1, s17, s20, $0xb8;
	[tilespmem:$0x18000] =	vst v63  }
0x3f: {  	_ = 	snop  }
0x40: {  	[tilespmem:s15], [sflag:$0x1] =	stream.indirect.gather [hbm4b:s10+s20], $0x80, s17, s20, $0xb8;
	[tilespmem:$0x18000] =	vst v63  }
0x41: {  	_ =	swait.ge [sflag:s19], $0x190  }
0x42: {  	[sflag:s19] =	ssyncset.done $0x0  }
0x43: {  	[sflag:s19] =	ssyncadd.s32 $0xFFFFFE70  }
0x44: {  	_ =	swait.ge [sflag:s19], $0x190  }
0x45: {  	[sflag:s19] =	ssyncset.done $0x0  }
0x46: {  	[sflag:s19] =	ssyncadd.s32 $0xFFFFFE70  }
0x47: {  	_ =	swait.ge [sflag:s19], $0x190  }
0x48: {  	[sflag:s19] =	ssyncset.done $0x0  }
0x49: {  	[sflag:s19] =	ssyncadd.s32 $0xFFFFFE70  }
0x4a: {  	_ =	swait.ge [sflag:s19], $0xC800  }
0x4b: {  	[sflag:s19] =	ssyncset.done $0x0  }
0x4c: {  	s31 =	simm.s32 $0x0;
	[sflag:s19] =	ssyncadd.s32 $0xFFFF3800  }
0x4d: {  	v2 =	vld [tilespmem:s31+$0xE00]  }
0x4e: {  	v3 =	vld [tilespmem:s31+$0x0]  }
0x4f: {  	v4 =	vld [tilespmem:s31+$0xA00]  }
0x50: {  	v5 =	vld [tilespmem:s31+$0xC00]  }
0x51: {  	s30 =	simm.s32 $0x10  }
0x52: {  	v6 =	vld [tilespmem:s30+$0xA00]  }
0x53: {  	v7 =	vld [tilespmem:s30+$0xC00];
	v2 =	vadd.f32 v2, v2;
	v3 =	vadd.s32 v0, v3  }
0x54: {  	v9 =	vld [tilespmem:s30+$0x0];
	v3 =	vmin.u32 v3, $0x1400  }
0x55: {  	s28 =	simm.s32 $0x20;
	v8 =	vld [tilespmem:s30+$0xE00];
	v4 =	vadd.f32 v5, v4;
	v2 =	vmul.f32 $1.442695020e+00, v2;
	[tilespmem:s31+$0x400] =	vst v3  }
0x56: {  	v5 =	vld [tilespmem:s28+$0xA00]  }
0x57: {  	v4 =	vsub.f32 $0.0e+00, v4;
	(erf) = vpow2.f32 v2;
	v2 =	vld [tilespmem:s28+$0xC00]  }
0x58: {  	[tilespmem:s31+$0x600] =	vst v3  }
0x59: {  	v3 =	vadd.f32 v7, v6;
	v7 =	vadd.s32 v0, v9;
	v4 =	vmul.f32 $1.442695020e+00, v4;
	v6 =	vld [tilespmem:s28+$0xE00]  }
0x5a: {  	v8 =	vadd.f32 v8, v8;
	v7 =	vmin.u32 v7, $0x1400  }
0x5b: {  	s29 =	simm.s32 $0x30;
	v9 =	vld [tilespmem:s28+$0x0];
	v3 =	vsub.f32 $0.0e+00, v3;
	[tilespmem:s30+$0x400] =	vst v7;
	(erf) = vpow2.f32 v4  }
0x5c: {  	v4 =	vmul.f32 $1.442695020e+00, v8;
	v8 =	vld [tilespmem:s29+$0xA00];
	v2 =	vadd.f32 v2, v5  }
0x5d: {  	v10 =	vld [tilespmem:s29+$0xC00];
	[tilespmem:s30+$0x600] =	vst v7;
	v3 =	vmul.f32 $1.442695020e+00, v3  }
0x5e: {  	(erf) = vpow2.f32 v4;
	v7 =	vld [tilespmem:s29+$0x0];
	v4 =	vadd.f32 v6, v6;
	v2 =	vsub.f32 $0.0e+00, v2  }
0x5f: {  	(erf) = vpow2.f32 v3;
	v3 =	vld [tilespmem:s29+$0xE00]  }
0x60: {  	v4 =	vmul.f32 $1.442695020e+00, v4;
	v6 =	vpop (erf);
	v2 =	vmul.f32 $1.442695020e+00, v2  }
0x61: {  	v5 =	vadd.s32 v0, v9;
	v6 =	vadd.f32 $1.000000000e+00, v6  }
0x62: {  	v5 =	vmin.u32 v5, $0x1400;
	(erf) = vpow2.f32 v4  }
0x63: {  	s0 =	simm.s32 $0x40;
	[tilespmem:s28+$0x400] =	vst v5;
	(erf) = vrcp.f32 v6  }
0x64: {  	v7 =	vadd.s32 v0, v7;
	v4 =	vld [tilespmem:s0+$0xA00];
	v3 =	vadd.f32 v3, v3;
	(erf) = vpow2.f32 v2;
	v2 =	vpop (erf)  }
0x65: {  	v6 =	vld [tilespmem:s0+$0xC00];
	[tilespmem:s28+$0x600] =	vst v5;
	v5 =	vadd.f32 v10, v8;
	v2 =	vadd.f32 $1.000000000e+00, v2  }
0x66: {  	v10 =	vmin.u32 v7, $0x1400;
	v8 =	vld [tilespmem:s0+$0xE00]  }
0x67: {  	v9 =	vld [tilespmem:s0+$0x0];
	v3 =	vmul.f32 $1.442695020e+00, v3;
	v7 =	vpop (erf);
	v5 =	vsub.f32 $0.0e+00, v5;
	(erf) = vrcp.f32 v2  }
0x68: {  	v2 =	vadd.f32 $1.000000000e+00, v7  }
0x69: {  	[tilespmem:s29+$0x400] =	vst v10;
	v11 =	vpop (erf);
	v12 =	vmul.f32 $1.442695020e+00, v5;
	(erf) = vpow2.f32 v3  }
0x6a: {  	s6 =	simm.s32 $0x50;
	v7 =	vld [tilespmem:s31+$0x800];
	v11 =	vadd.f32 $1.000000000e+00, v11;
	(erf) = vrcp.f32 v2  }
0x6b: {  	v5 =	vld [tilespmem:s6+$0xC00];
	v4 =	vadd.f32 v6, v4;
	(erf) = vpow2.f32 v12  }
0x6c: {  	v3 =	vld [tilespmem:s6+$0xA00];
	[tilespmem:s29+$0x600] =	vst v10;
	v8 =	vadd.f32 v8, v8;
	v2 =	vadd.s32 v0, v9;
	v9 =	vpop (erf);
	(erf) = vrcp.f32 v11  }
0x6d: {  	v6 =	vld [tilespmem:s6+$0xE00];
	v2 =	vmin.u32 v2, $0x1400;
	v10 =	vsub.f32 $0.0e+00, v4;
	v13 =	vpop (erf)  }
0x6e: {  	s13 =	simm.s32 $0x180;
	v4 =	vld [tilespmem:s6+$0x0];
	v11 =	vmul.f32 $1.442695020e+00, v8;
	v8 =	vadd.f32 $1.000000000e+00, v9;
	v12 =	vpop (erf);
	v9 =	vadd.f32 v13, v13  }
.LBB2_5:
0x6f: {  	s14 =	sshra.s32 s13, $0x2  }
0x70: {  	[tilespmem:s0+$0x400] =	vst v2;
	v10 =	vmul.f32 $1.442695020e+00, v10;
	(erf) = vpow2.f32 v11;
	v11 =	vadd.f32 $1.000000000e+00, v12;
	v13 =	vld [tilespmem:s30+$0x800];
	v12 =	vpop (erf);
	s11 =	smov.u32 s29;
	s29 =	smov.u32 s0;
	p0 =	sne.s32 s13, $0x600  }
.Ltmp1:
0x71: {  	s0 =	smov.u32 s6;
	(erf) = vrcp.f32 v8;
	v8 =	vsub.f32 $1.000000000e+00, v9;
	[tilespmem:s31+$0x1000] =	vst v12;
	v7 =	vmul.f32 v12, v7;
	v9 =	vmovc v3;
	v3 =	vld [tilespmem:s14+$0xA00];
	s6 =	smov.u32 s14;
	(pc) =	sbr.rel @p0 .LBB2_5-.Ltmp1, $4  }
0x72: {  	v15 =	vadd.f32 v5, v9;
	v5 =	vld [tilespmem:s6+$0xC00];
	v16 =	vadd.f32 v6, v6;
	[tilespmem:s29+$0x600] =	vst v2;
	(erf) = vpow2.f32 v10  }
0x73: {  	s13 =	sadd.s32 $0x40, s13;
	v6 =	vld [tilespmem:s6+$0xE00];
	v2 =	vadd.s32 v0, v4;
	v14 =	vpop (erf);
	(erf) = vrcp.f32 v11;
	v17 =	vmul.f32 v8, v7  }
0x74: {  	v4 =	vld [tilespmem:s6+$0x0];
	v2 =	vmin.u32 v2, $0x1400;
	v10 =	vsub.f32 $0.0e+00, v15;
	v11 =	vmul.f32 $1.442695020e+00, v16;
	v9 =	vpop (erf)  }
0x75: {  	v8 =	vadd.f32 $1.000000000e+00, v14;
	v12 =	vpop (erf);
	v9 =	vadd.f32 v9, v9;
	[tilespmem:s31+$0x1200] =	vst v17;
	v7 =	vmov v13;
	s31 =	smov.u32 s30;
	s30 =	smov.u32 s28;
	s28 =	smov.u32 s11  }
0x76: {  	_ = 	snop  }
0x77: {  	v10 =	vmul.f32 $1.442695020e+00, v10;
	(erf) = vpow2.f32 v11  }
0x78: {  	v11 =	vpop (erf);
	v3 =	vadd.f32 v5, v3;
	(erf) = vrcp.f32 v8;
	v5 =	vadd.f32 v6, v6  }
0x79: {  	[tilespmem:s0+$0x400] =	vst v2;
	v8 =	vsub.f32 $1.000000000e+00, v9;
	v7 =	vmul.f32 v11, v7;
	v6 =	vadd.f32 $1.000000000e+00, v12  }
0x7a: {  	(erf) = vpow2.f32 v10;
	v10 =	vld [tilespmem:s30+$0x800];
	v9 =	vpop (erf);
	v3 =	vsub.f32 $0.0e+00, v3;
	v5 =	vmul.f32 $1.442695020e+00, v5  }
0x7b: {  	v4 =	vadd.s32 v0, v4;
	(erf) = vrcp.f32 v6;
	v6 =	vadd.f32 $1.000000000e+00, v9  }
0x7c: {  	[tilespmem:s31+$0x1000] =	vst v11;
	v9 =	vpop (erf);
	v3 =	vmul.f32 $1.442695020e+00, v3;
	(erf) = vpow2.f32 v5  }
0x7d: {  	[tilespmem:s0+$0x600] =	vst v2;
	v2 =	vadd.f32 v9, v9;
	v5 =	vmul.f32 v8, v7;
	v7 =	vpop (erf);
	(erf) = vrcp.f32 v6  }
0x7e: {  	v6 =	vadd.f32 $1.000000000e+00, v7;
	(erf) = vpow2.f32 v3;
	v3 =	vmin.u32 v4, $0x1400;
	v4 =	vpop (erf)  }
0x7f: {  	v2 =	vsub.f32 $1.000000000e+00, v2;
	[tilespmem:s31+$0x1200] =	vst v5;
	v5 =	vmul.f32 v4, v10  }
0x80: {  	[tilespmem:s6+$0x400] =	vst v3  }
0x81: {  	(erf) = vrcp.f32 v6;
	v7 =	vld [tilespmem:s28+$0x800];
	v2 =	vmul.f32 v2, v5  }
0x82: {  	v6 =	vpop (erf)  }
0x83: {  	[tilespmem:s30+$0x1000] =	vst v4;
	v4 =	vpop (erf)  }
0x84: {  	[tilespmem:s6+$0x600] =	vst v3;
	v5 =	vadd.f32 $1.000000000e+00, v6;
	v3 =	vpop (erf)  }
0x85: {  	[tilespmem:s30+$0x1200] =	vst v2;
	v3 =	vadd.f32 $1.000000000e+00, v3;
	v2 =	vpop (erf)  }
0x86: {  	v4 =	vadd.f32 v4, v4;
	v6 =	vld [tilespmem:s29+$0x800];
	v7 =	vmul.f32 v2, v7  }
0x87: {  	v8 =	vpop (erf)  }
0x88: {  	(erf) = vrcp.f32 v5;
	v4 =	vsub.f32 $1.000000000e+00, v4;
	v5 =	vpop (erf);
	v8 =	vadd.f32 $1.000000000e+00, v8  }
0x89: {  	(erf) = vrcp.f32 v3;
	v3 =	vpop (erf);
	v5 =	vadd.f32 v5, v5  }
0x8a: {  	v4 =	vmul.f32 v4, v7;
	v3 =	vadd.f32 $1.000000000e+00, v3;
	(erf) = vrcp.f32 v8;
	v7 =	vpop (erf)  }
0x8b: {  	[tilespmem:s28+$0x1000] =	vst v2;
	v2 =	vsub.f32 $1.000000000e+00, v5;
	v5 =	vmul.f32 v7, v6  }
0x8c: {  	(erf) = vrcp.f32 v3  }
0x8d: {  	v2 =	vmul.f32 v2, v5  }
0x8e: {  	[tilespmem:s28+$0x1200] =	vst v4  }
0x8f: {  	v3 =	vld [tilespmem:s0+$0x800];
	[tilespmem:s29+$0x1000] =	vst v7  }
0x90: {  	[tilespmem:s29+$0x1200] =	vst v2  }
0x91: {  	v4 =	vld [tilespmem:s6+$0x800];
	v2 =	vpop (erf)  }
0x92: {  	v2 =	vadd.f32 v2, v2;
	v5 =	vpop (erf)  }
0x93: {  	v6 =	vpop (erf)  }
0x94: {  	v3 =	vmul.f32 v5, v3;
	v2 =	vsub.f32 $1.000000000e+00, v2;
	v6 =	vadd.f32 v6, v6  }
0x95: {  	v7 =	vpop (erf)  }
0x96: {  	v4 =	vmul.f32 v7, v4;
	v2 =	vmul.f32 v2, v3;
	v3 =	vsub.f32 $1.000000000e+00, v6  }
0x97: {  	[tilespmem:s0+$0x1000] =	vst v5  }
0x98: {  	[tilespmem:s0+$0x1200] =	vst v2;
	v2 =	vmul.f32 v3, v4  }
0x99: {  	[tilespmem:s6+$0x1000] =	vst v7  }
0x9a: {  	s13 =	simm.s32 $0x0;
	[tilespmem:s6+$0x1200] =	vst v2  }
0x9b: {  	v2 =	vld [tilespmem:s13+$0x600];
	_ =	sdelay $0x4  }
0x9c: {  	(v2sf) =	vpush v2, $0x0;
	_ =	sdelay $0xe  }
0x9d: {  	s14 =	spop (v2sf)  }
0x9e: {  	s6 =	simm.s32 $0x1440;
	p0 =	seq.s32 s14, $0x1400  }
0x9f: {  	v4 =	vld @!p0 [tilespmem:s6+$0x30]  }
0xa0: {  	v3 =	vld @!p0 [tilespmem:s6+$0x20]  }
0xa1: {  	s0 =	simm.s32 @!p0 $0x0;
	v7 =	vld @!p0 [tilespmem:s6+$0x0]  }
0xa2: {  	v2 =	vld.msk @!p0 [tilespmem:s0+$0x1200 ss:$0x0], $0xffff  }
0xa3: {  	v5 =	vld @!p0 [tilespmem:s6+$0xFFFFFFE0]  }
0xa4: {  	s31 =	simm.s32 $0x14C0;
	s30 =	simm.s32 $0x8;
	v6 =	vld @!p0 [tilespmem:s6+$0xFFFFFFF0]  }
0xa5: {  	s28 =	simm.s32 $0x4;
	s29 =	simm.s32 $0x1;
	v8 =	vld @!p0 [tilespmem:s6+$0x10];
	s0 =	simm.s32 $0x14C0  }
.LBB2_7:
0xa6: {  	s31 =	sadd.s32 $0x80, s31;
	v9 =	vld @!p0 [tilespmem:s6+$0xFFFFFFD0];
	s13 =	smov.u32 s30;
	s30 =	sadd.s32 $0x4, s30  }
0xa7: {  	p1 =	sne.s32 s30, $0x640;
	v10 =	vld @!p0 [tilespmem:s6+$0xFFFFFFC0];
	v7 =	vmul.f32 @!p0 v7, v2;
	_ =	sdelay $0x1  }
0xa8: {  	v4 =	vmul.f32 @!p0 v4, v2;
	[tilespmem:s6+$0x0] =	vst @!p0 v7  }
0xa9: {  	v3 =	vmul.f32 @!p0 v3, v2;
	v7 =	vmul.f32 @!p0 v8, v2  }
0xaa: {  	v5 =	vmul.f32 @!p0 v5, v2;
	v6 =	vmul.f32 @!p0 v6, v2;
	[tilespmem:s6+$0x30] =	vst @!p0 v4  }
0xab: {  	v4 =	vmul.f32 @!p0 v2, v10;
	v2 =	vmul.f32 @!p0 v9, v2;
	[tilespmem:s6+$0x10] =	vst @!p0 v7  }
0xac: {  	[tilespmem:s6+$0xFFFFFFF0] =	vst @!p0 v6  }
0xad: {  	[tilespmem:s6+$0xFFFFFFE0] =	vst @!p0 v5  }
0xae: {  	s11 =	sshra.s32 s13, $0x2;
	[tilespmem:s6+$0xFFFFFFD0] =	vst @!p0 v2  }
0xaf: {  	[tilespmem:s6+$0x20] =	vst @!p0 v3  }
0xb0: {  	[tilespmem:s6+$0xFFFFFFC0] =	vst @!p0 v4;
	s6 =	smov.u32 s0;
	s0 =	smov.u32 s31  }
0xb1: {  	v2 =	vld [tilespmem:s29+$0x600];
	s29 =	smov.u32 s11;
	_ =	sdelay $0x4  }
0xb2: {  	(v2sf) =	vpush v2, $0x0;
	_ =	sdelay $0xe  }
0xb3: {  	s11 =	spop (v2sf)  }
0xb4: {  	p0 =	seq.s32 s11, $0x1400  }
0xb5: {  	s11 =	sshra.s32 @!p0 s28, $0x2;
	v4 =	vld @!p0 [tilespmem:s6+$0x30];
	s28 =	smov.u32 s13  }
0xb6: {  	v2 =	vld.msk @!p0 [tilespmem:s11+$0x1200 ss:$0x0], $0xffff  }
.Ltmp2:
0xb7: {  	v3 =	vld @!p0 [tilespmem:s6+$0x20];
	(pc) =	sbr.rel @p1 .LBB2_7-.Ltmp2, $4  }
0xb8: {  	v7 =	vld @!p0 [tilespmem:s6+$0x0]  }
0xb9: {  	v5 =	vld @!p0 [tilespmem:s6+$0xFFFFFFE0]  }
0xba: {  	v6 =	vld @!p0 [tilespmem:s6+$0xFFFFFFF0]  }
0xbb: {  	v8 =	vld @!p0 [tilespmem:s6+$0x10]  }
0xbc: {  	v4 =	vmul.f32 @!p0 v4, v2  }
0xbd: {  	v9 =	vld @!p0 [tilespmem:s6+$0xFFFFFFD0];
	v3 =	vmul.f32 @!p0 v3, v2  }
0xbe: {  	v10 =	vld @!p0 [tilespmem:s6+$0xFFFFFFC0];
	v7 =	vmul.f32 @!p0 v7, v2;
	[tilespmem:s6+$0x30] =	vst @!p0 v4  }
0xbf: {  	v4 =	vmul.f32 @!p0 v5, v2;
	[tilespmem:s6+$0x20] =	vst @!p0 v3  }
0xc0: {  	[tilespmem:s6+$0x0] =	vst @!p0 v7;
	v6 =	vmul.f32 @!p0 v6, v2  }
0xc1: {  	v7 =	vmul.f32 @!p0 v8, v2;
	[tilespmem:s6+$0xFFFFFFE0] =	vst @!p0 v4  }
0xc2: {  	v5 =	vmul.f32 @!p0 v9, v2;
	[tilespmem:s6+$0xFFFFFFF0] =	vst @!p0 v6  }
0xc3: {  	v2 =	vmul.f32 @!p0 v2, v10;
	[tilespmem:s6+$0x10] =	vst @!p0 v7  }
0xc4: {  	[tilespmem:s6+$0xFFFFFFD0] =	vst @!p0 v5  }
0xc5: {  	[tilespmem:s6+$0xFFFFFFC0] =	vst @!p0 v2  }
0xc6: {  	v2 =	vld [tilespmem:s29+$0x600];
	_ =	sdelay $0x4  }
0xc7: {  	(v2sf) =	vpush v2, $0x0;
	_ =	sdelay $0xe  }
0xc8: {  	s31 =	spop (v2sf)  }
0xc9: {  	p0 =	seq.s32 s31, $0x1400  }
0xca: {  	s6 =	sshra.s32 @!p0 s28, $0x2;
	v3 =	vld @!p0 [tilespmem:s0+$0x0]  }
0xcb: {  	v2 =	vld.msk @!p0 [tilespmem:s6+$0x1200 ss:$0x0], $0xffff  }
0xcc: {  	v4 =	vld @!p0 [tilespmem:s0+$0x30]  }
0xcd: {  	v5 =	vld @!p0 [tilespmem:s0+$0x10]  }
0xce: {  	v6 =	vld @!p0 [tilespmem:s0+$0xFFFFFFF0]  }
0xcf: {  	v7 =	vld @!p0 [tilespmem:s0+$0xFFFFFFE0]  }
0xd0: {  	v8 =	vld @!p0 [tilespmem:s0+$0xFFFFFFD0];
	v3 =	vmul.f32 @!p0 v3, v2  }
0xd1: {  	v9 =	vld @!p0 [tilespmem:s0+$0x20];
	v4 =	vmul.f32 @!p0 v4, v2  }
0xd2: {  	v10 =	vld @!p0 [tilespmem:s0+$0xFFFFFFC0];
	[tilespmem:s0+$0x0] =	vst @!p0 v3;
	v3 =	vmul.f32 @!p0 v5, v2  }
0xd3: {  	v5 =	vmul.f32 @!p0 v6, v2;
	[tilespmem:s0+$0x30] =	vst @!p0 v4  }
0xd4: {  	v4 =	vmul.f32 @!p0 v7, v2;
	[tilespmem:s0+$0x10] =	vst @!p0 v3  }
0xd5: {  	v3 =	vmul.f32 @!p0 v8, v2;
	[tilespmem:s0+$0xFFFFFFF0] =	vst @!p0 v5  }
0xd6: {  	v5 =	vmul.f32 @!p0 v9, v2;
	[tilespmem:s0+$0xFFFFFFE0] =	vst @!p0 v4  }
0xd7: {  	v2 =	vmul.f32 @!p0 v2, v10;
	[tilespmem:s0+$0xFFFFFFD0] =	vst @!p0 v3  }
0xd8: {  	s26 =	sadd.s32 $0x1, s26;
	[tilespmem:s0+$0x20] =	vst @!p0 v5  }
0xd9: {  	[tilespmem:s0+$0xFFFFFFC0] =	vst @!p0 v2;
	p0 =	sne.s32 s26, $0x19  }
.Ltmp3:
0xda: {  	_ = 	snop;
	(pc) =	sbr.rel @p0 .LBB2_4-.Ltmp3, $4  }
0xdb: {  	[spmem:s3] =	stream.indirect.scatter.add.f32 [tilespmem:s15], [sflag:$0x2], $0x80, s24, s20, $0xb8;
	[tilespmem:$0x18000] =	vst v63  }
0xdc: {  	_ =	swait.ge [sflag:s16], $0xC800  }
0xdd: {  	[sflag:s16] =	ssyncset.done $0x0  }
0xde: {  	[sflag:s16] =	ssyncadd.s32 $0xFFFF3800  }
0xdf: {  	s0 =	stileid.u32;
	[bflag:$0x0] =	sbarrier.arrive $0xFFFF  }
0xe0: {  	s0 =	sshll.u32 s0, $0x6;
	s11 =	rddreg [dreg:$0x5]  }
0xe1: {  	s13 =	rddreg [dreg:$0x7];
	s0 =	sor.u32 $0x1C02, s0;
	s6 =	sshrl.u32 s11, $0x3  }
0xe2: {  	[hbm:s13], [sflag:s0] =	dma.local [spmem:s6], $0x1480  }
0xe3: {  	_ =	swait.ge [sflag:s16], $0x1480  }
0xe4: {  	s4 =	sadd.s32 $0x1, s4;
	s31 =	rddreg [dreg:$0x6]  }
0xe5: {  	p0 =	sne.s32 s4, s31  }
.Ltmp4:
0xe6: {  	_ = 	snop;
	(pc) =	sbr.rel @p0 .LBB2_1-.Ltmp4, $3  }
0xe7: {  	_ =	sdelay $0x1  }
0xe8: {  	[sflag:s16] =	ssyncset.done $0x0  }
0xe9: {  	[sflag:s16] =	ssyncadd.s32 $0xFFFFEB80  }
0xea: {  	_ =	sfence.sel $0x180000  }
0xeb: {  	[bflag:$0x0] =	sbarrier.arrive $0xFFFF  }
0xec: {  	_ =	strace $0x90000047  }
0xed: {  	s0 =	stileid.u32;
	[bflag:$0x2] =	sbarrier.arrive $0xFFFF  }
0xee: {  	p0 =	sne.s32 s0, $0x0;
	s0 =	rddreg [dreg:$0x4]  }
0xef: {  	s0 =	sadd.s32 @!p0 $0x100000, s0  }
0xf0: {  	[sflag:s0] =	ssyncadd.tile.s32 @!p0 $0x1;
	_ =	shalt  }
.Lfunc_end2:
_tile_overlayer_lowered:
.L_overlay_start_2:
0xf1: {  	(tag) =	ssettag $0x2  }
0xf2: {  	s0 =	rddreg [dreg:$0x0];
	s2 =	stileid.u32  }
0xf3: {  	s1 =	rddreg [dreg:$0x1];
	p0 =	sne.s32 s2, $0x0  }
0xf4: {  	s3 =	rddreg [dreg:$0x2];
	[bflag:$0x3] =	sbarrier.arrive $0xFFFF;
	s2 =	simm.s32 @!p0 $0x1C02  }
0xf5: {  	[timem:s3], [sflag:s2] =	dma.local @!p0 [hbm:s0], s1  }
0xf6: {  	s0 =	simm.s32 @!p0 $0x2  }
0xf7: {  	_ =	swait.ge @!p0 [sflag:s0], s1  }
0xf8: {  	s1 =	ssub.s32 @!p0 $0x0, s1;
	[sflag:s0] =	ssyncset.done @!p0 $0x0  }
0xf9: {  	[sflag:s0] =	ssyncadd.s32 @!p0 s1  }
0xfa: {  	[bflag:$0x3] =	sbarrier.arrive $0xFFFF  }
0xfb: {  	_ =	shalt  }

</sc_bundles>
